<compile_context>
chip_gen: v7x
topology: tpu7x:2x2x1
jax: 0.10.2.dev20260603
libtpu: 0.0.44.dev20260713+nightly
codegen_flags: <defaults>
</compile_context>

<pallas_src>
import functools

import jax
import jax.numpy as jnp
from jax import lax
from jax.experimental import pallas as pl
from jax.experimental.pallas import tpu as pltpu
from jax.experimental.pallas import tpu_sc as plsc

VOCAB = 1000000
EMB = 16
HID = 32
BATCH = 16384

NC = 2
NS = 16
NW = NC * NS
NIDX = 4 * BATCH
B_PER_W = NIDX // NW
CHUNK = 128
NCHUNK = B_PER_W // CHUNK

PK = 128 // EMB
QTOT = NIDX // PK
QC = BATCH // PK


def _make_gather():
    mesh = plsc.VectorSubcoreMesh(
        core_axis_name="c", subcore_axis_name="s", num_cores=NC, num_subcores=NS
    )

    @functools.partial(
        pl.kernel,
        mesh=mesh,
        compiler_params=pltpu.CompilerParams(use_tc_tiling_on_sc=False),
        out_type=jax.ShapeDtypeStruct((NIDX, EMB), jnp.float32),
        scratch_types=[
            pltpu.VMEM((NCHUNK, CHUNK), jnp.int32),
            pltpu.VMEM((B_PER_W, EMB), jnp.float32),
            pltpu.SemaphoreType.DMA,
        ],
    )
    def gather_kernel(idx_hbm, table_hbm, out_hbm, idx_v, rows_v, sem):
        wid = lax.axis_index("s") * NC + lax.axis_index("c")
        base = wid * B_PER_W
        pltpu.sync_copy(idx_hbm.at[wid], idx_v)
        copies = []
        for j in range(NCHUNK):
            copies.append(
                pltpu.async_copy(
                    table_hbm.at[idx_v.at[j]],
                    rows_v.at[pl.ds(j * CHUNK, CHUNK)],
                    sem,
                )
            )
        for c in copies:
            c.wait()
        pltpu.sync_copy(rows_v, out_hbm.at[pl.ds(base, B_PER_W)])

    return gather_kernel


_gather = _make_gather()

BQ = 512
GRID = QC // BQ


def _mlp_body(e_ref, w_ref, b_ref, ws_ref, bs_ref, o_ref):
    acc = jnp.zeros((BQ, PK * HID), jnp.float32)
    for c in range(4):
        h = jnp.dot(e_ref[c], w_ref[c], preferred_element_type=jnp.float32) + b_ref[c]
        acc = acc + jnp.maximum(h, 0.0)
    o_ref[...] = (
        jnp.dot(acc, ws_ref[...], preferred_element_type=jnp.float32) + bs_ref[...]
    )


def kernel(x, table, w1, b1, w2, b2, w3, b3, w4, b4, ws, bs):
    idx = jnp.stack([x[:, 0], x[:, 1], x[:, 3], x[:, 4]], axis=0)
    idx = idx.reshape(NW, NCHUNK, CHUNK)

    rows = _gather(idx, table)
    e_pk = rows.reshape(4, QC, PK * EMB)

    eye = jnp.eye(PK, dtype=jnp.float32)
    w_bd = jnp.stack(
        [jnp.kron(eye, w) for w in (w1, w2, w3, w4)], axis=0
    )
    b_bd = jnp.stack(
        [jnp.tile(b, PK) for b in (b1, b2, b3, b4)], axis=0
    )[:, None, :]
    ws_bd = jnp.kron(eye, ws)
    bs_bd = jnp.tile(bs, PK)[None, :]

    out = pl.pallas_call(
        _mlp_body,
        grid=(GRID,),
        in_specs=[
            pl.BlockSpec((4, BQ, PK * EMB), lambda i: (0, i, 0)),
            pl.BlockSpec((4, PK * EMB, PK * HID), lambda i: (0, 0, 0)),
            pl.BlockSpec((4, 1, PK * HID), lambda i: (0, 0, 0)),
            pl.BlockSpec((PK * HID, PK * EMB), lambda i: (0, 0)),
            pl.BlockSpec((1, PK * EMB), lambda i: (0, 0)),
        ],
        out_specs=pl.BlockSpec((BQ, PK * EMB), lambda i: (i, 0)),
        out_shape=jax.ShapeDtypeStruct((QC, PK * EMB), jnp.float32),
    )(e_pk, w_bd, b_bd, ws_bd, bs_bd)
    return out.reshape(BATCH, EMB)

# --- scband reference (transcript-rebuilt; emitter-appended) ---
"""Pipeline reference for scband-cbow-26972394619087 (READ-ONLY COPY).

The authoritative reference and input builder live on the scoring server;
editing this copy changes nothing except your own understanding.
"""

import jax, jax.numpy as jnp
import numpy as np

VOCAB = 1000000
EMB = 16
HID = 32
BATCH = 16384

def setup_inputs(seed: int = 0) -> dict:
    key = jax.random.key(seed)
    ks = jax.random.split(key, 12)
    x = jax.random.randint(ks[0], (BATCH, 5), 0, VOCAB, dtype=jnp.int64 if jax.config.jax_enable_x64 else jnp.int32).astype(jnp.int32)
    table = jax.random.normal(ks[1], (VOCAB, EMB), dtype=jnp.float32) * 0.02
    w1 = jax.random.normal(ks[2], (EMB, HID), dtype=jnp.float32) * 0.1
    b1 = jnp.zeros((HID,), dtype=jnp.float32)
    w2 = jax.random.normal(ks[3], (EMB, HID), dtype=jnp.float32) * 0.1
    b2 = jnp.zeros((HID,), dtype=jnp.float32)
    w3 = jax.random.normal(ks[4], (EMB, HID), dtype=jnp.float32) * 0.1
    b3 = jnp.zeros((HID,), dtype=jnp.float32)
    w4 = jax.random.normal(ks[5], (EMB, HID), dtype=jnp.float32) * 0.1
    b4 = jnp.zeros((HID,), dtype=jnp.float32)
    ws = jax.random.normal(ks[6], (HID, EMB), dtype=jnp.float32) * 0.1
    bs = jnp.zeros((EMB,), dtype=jnp.float32)
    return {"x": x, "table": table, "w1": w1, "b1": b1, "w2": w2, "b2": b2, "w3": w3, "b3": b3, "w4": w4, "b4": b4, "ws": ws, "bs": bs}

def reference(x, table, w1, b1, w2, b2, w3, b3, w4, b4, ws, bs):
    e1 = jnp.take(table, x[:, 0], axis=0)
    e2 = jnp.take(table, x[:, 1], axis=0)
    e3 = jnp.take(table, x[:, 3], axis=0)
    e4 = jnp.take(table, x[:, 4], axis=0)
    h1 = jnp.maximum(e1 @ w1 + b1, 0.0)
    h2 = jnp.maximum(e2 @ w2 + b2, 0.0)
    h3 = jnp.maximum(e3 @ w3 + b3, 0.0)
    h4 = jnp.maximum(e4 @ w4 + b4, 0.0)
    w = h1 + h2 + h3 + h4
    out = w @ ws + bs
    return out

if __name__ == "__main__":
    import jax
    _d = setup_inputs()
    print(jax.jit(kernel)(*tuple(_d.values())))

</pallas_src>

<mosaic_0001>
#map = affine_map<(d0, d1) -> (0, 0, 0)>
#map1 = affine_map<(d0, d1) -> (0, 0)>
module attributes {stable_mosaic.version = 14 : i64} {
  func.func @gather_kernel(%arg0: i32, %arg1: i32, %arg2: memref<32x16x128xi32, #tpu.memory_space<hbm>>, %arg3: memref<1000000x16xf32, #tpu.memory_space<hbm>>, %arg4: memref<65536x16xf32, #tpu.memory_space<hbm>>, %arg5: memref<16x128xi32, #tpu.memory_space<vmem>>, %arg6: memref<2048x16xf32, #tpu.memory_space<vmem>>, %arg7: memref<!tpu.dma_semaphore, #tpu.memory_space<semaphore_mem>>) attributes {dimension_semantics = [#tpu.dimension_semantics<core_parallel>, #tpu.dimension_semantics<subcore_parallel>], iteration_bounds = array<i64: 2, 16>, scalar_prefetch = 0 : i64, scratch_operands = 3 : i64, tpu.core_type = #tpu.core_type<sc_vector_subcore>, window_params = [{transform_indices = #map}, {transform_indices = #map1}, {transform_indices = #map1}]} {
    %mul3A = arith.constant 2 : i32
    %mul3A_0 = arith.muli %arg1, %mul3A : i32
    %add3A = arith.addi %mul3A_0, %arg0 : i32
    %mul3A_1 = arith.constant 2048 : i32
    %mul3A_2 = arith.muli %add3A, %mul3A_1 : i32
    "tpu.region"() ({
      %run_scoped3A = tpu.sem_alloc : memref<!tpu.dma_semaphore, #tpu.memory_space<semaphore_mem>>
      %dma_start3A_321 = arith.constant 0 : i32
      %dma_start3A_322 = arith.constant 0 : i32
      %dma_start3A_323 = tpu.memref_slice %arg2[%add3A, %dma_start3A_321, %dma_start3A_322] : memref<32x16x128xi32, #tpu.memory_space<hbm>> -> memref<1x16x128xi32, #tpu.memory_space<hbm>>
      %dma_start3A_324 = tpu.memref_squeeze %dma_start3A_323 : memref<1x16x128xi32, #tpu.memory_space<hbm>> -> memref<16x128xi32, #tpu.memory_space<hbm>>
      %dma_start3A_325 = arith.constant 0 : i32
      %dma_start3A_326 = arith.constant 0 : i32
      %dma_start3A_327 = tpu.memref_slice %arg2[%add3A, %dma_start3A_325, %dma_start3A_326] : memref<32x16x128xi32, #tpu.memory_space<hbm>> -> memref<1x16x128xi32, #tpu.memory_space<hbm>>
      %dma_start3A_328 = tpu.memref_squeeze %dma_start3A_327 : memref<1x16x128xi32, #tpu.memory_space<hbm>> -> memref<16x128xi32, #tpu.memory_space<hbm>>
      tpu.enqueue_dma source(%dma_start3A_328 : memref<16x128xi32, #tpu.memory_space<hbm>>) target(%arg5 : memref<16x128xi32, #tpu.memory_space<vmem>>) target_semaphore(%run_scoped3A : memref<!tpu.dma_semaphore, #tpu.memory_space<semaphore_mem>>)
      %dma_wait3A_329 = arith.constant 0 : i32
      %dma_wait3A_330 = arith.constant 0 : i32
      %dma_wait3A_331 = tpu.memref_slice %arg2[%add3A, %dma_wait3A_329, %dma_wait3A_330] : memref<32x16x128xi32, #tpu.memory_space<hbm>> -> memref<1x16x128xi32, #tpu.memory_space<hbm>>
      %dma_wait3A_332 = tpu.memref_squeeze %dma_wait3A_331 : memref<1x16x128xi32, #tpu.memory_space<hbm>> -> memref<16x128xi32, #tpu.memory_space<hbm>>
      %dma_wait3A_333 = arith.constant 0 : i32
      %dma_wait3A_334 = arith.constant 0 : i32
      %dma_wait3A_335 = tpu.memref_slice %arg2[%add3A, %dma_wait3A_333, %dma_wait3A_334] : memref<32x16x128xi32, #tpu.memory_space<hbm>> -> memref<1x16x128xi32, #tpu.memory_space<hbm>>
      %dma_wait3A_336 = tpu.memref_squeeze %dma_wait3A_335 : memref<1x16x128xi32, #tpu.memory_space<hbm>> -> memref<16x128xi32, #tpu.memory_space<hbm>>
      tpu.wait_dma2 semaphore(%run_scoped3A : memref<!tpu.dma_semaphore, #tpu.memory_space<semaphore_mem>>) src(%dma_wait3A_336 : memref<16x128xi32, #tpu.memory_space<hbm>>) dst(%arg5 : memref<16x128xi32, #tpu.memory_space<vmem>>)
      tpu.yield
    }) : () -> ()
    %dma_start3A = arith.constant 0 : i32
    %dma_start3A_3 = arith.constant 0 : i32
    %dma_start3A_4 = arith.constant 0 : i32
    %dma_start3A_5 = tpu.memref_slice %arg6[%dma_start3A_3, %dma_start3A_4] : memref<2048x16xf32, #tpu.memory_space<vmem>> -> memref<128x16xf32, #tpu.memory_space<vmem>>
    %dma_start3A_6 = arith.constant 0 : i32
    %dma_start3A_7 = tpu.memref_slice %arg5[%dma_start3A, %dma_start3A_6] : memref<16x128xi32, #tpu.memory_space<vmem>> -> memref<1x128xi32, #tpu.memory_space<vmem>>
    %dma_start3A_8 = tpu.memref_squeeze %dma_start3A_7 : memref<1x128xi32, #tpu.memory_space<vmem>> -> memref<128xi32, #tpu.memory_space<vmem>>
    %dma_start3A_9 = arith.constant 0 : i32
    %dma_start3A_10 = arith.constant 0 : i32
    %dma_start3A_11 = tpu.memref_slice %arg3[%dma_start3A_9, %dma_start3A_10] : memref<1000000x16xf32, #tpu.memory_space<hbm>> -> memref<1000000x16xf32, #tpu.memory_space<hbm>>
    tpu.enqueue_indirect_dma source(%dma_start3A_11 : memref<1000000x16xf32, #tpu.memory_space<hbm>>) target(%dma_start3A_5 : memref<128x16xf32, #tpu.memory_space<vmem>>) offsets(%dma_start3A_8 : memref<128xi32, #tpu.memory_space<vmem>>) semaphore(%arg7 : memref<!tpu.dma_semaphore, #tpu.memory_space<semaphore_mem>>)
    %dma_start3A_12 = arith.constant 1 : i32
    %dma_start3A_13 = arith.constant 128 : i32
    %dma_start3A_14 = arith.constant 0 : i32
    %dma_start3A_15 = tpu.memref_slice %arg6[%dma_start3A_13, %dma_start3A_14] : memref<2048x16xf32, #tpu.memory_space<vmem>> -> memref<128x16xf32, #tpu.memory_space<vmem>>
    %dma_start3A_16 = arith.constant 0 : i32
    %dma_start3A_17 = tpu.memref_slice %arg5[%dma_start3A_12, %dma_start3A_16] : memref<16x128xi32, #tpu.memory_space<vmem>> -> memref<1x128xi32, #tpu.memory_space<vmem>>
    %dma_start3A_18 = tpu.memref_squeeze %dma_start3A_17 : memref<1x128xi32, #tpu.memory_space<vmem>> -> memref<128xi32, #tpu.memory_space<vmem>>
    %dma_start3A_19 = arith.constant 0 : i32
    %dma_start3A_20 = arith.constant 0 : i32
    %dma_start3A_21 = tpu.memref_slice %arg3[%dma_start3A_19, %dma_start3A_20] : memref<1000000x16xf32, #tpu.memory_space<hbm>> -> memref<1000000x16xf32, #tpu.memory_space<hbm>>
    tpu.enqueue_indirect_dma source(%dma_start3A_21 : memref<1000000x16xf32, #tpu.memory_space<hbm>>) target(%dma_start3A_15 : memref<128x16xf32, #tpu.memory_space<vmem>>) offsets(%dma_start3A_18 : memref<128xi32, #tpu.memory_space<vmem>>) semaphore(%arg7 : memref<!tpu.dma_semaphore, #tpu.memory_space<semaphore_mem>>)
    %dma_start3A_22 = arith.constant 2 : i32
    %dma_start3A_23 = arith.constant 256 : i32
    %dma_start3A_24 = arith.constant 0 : i32
    %dma_start3A_25 = tpu.memref_slice %arg6[%dma_start3A_23, %dma_start3A_24] : memref<2048x16xf32, #tpu.memory_space<vmem>> -> memref<128x16xf32, #tpu.memory_space<vmem>>
    %dma_start3A_26 = arith.constant 0 : i32
    %dma_start3A_27 = tpu.memref_slice %arg5[%dma_start3A_22, %dma_start3A_26] : memref<16x128xi32, #tpu.memory_space<vmem>> -> memref<1x128xi32, #tpu.memory_space<vmem>>
    %dma_start3A_28 = tpu.memref_squeeze %dma_start3A_27 : memref<1x128xi32, #tpu.memory_space<vmem>> -> memref<128xi32, #tpu.memory_space<vmem>>
    %dma_start3A_29 = arith.constant 0 : i32
    %dma_start3A_30 = arith.constant 0 : i32
    %dma_start3A_31 = tpu.memref_slice %arg3[%dma_start3A_29, %dma_start3A_30] : memref<1000000x16xf32, #tpu.memory_space<hbm>> -> memref<1000000x16xf32, #tpu.memory_space<hbm>>
    tpu.enqueue_indirect_dma source(%dma_start3A_31 : memref<1000000x16xf32, #tpu.memory_space<hbm>>) target(%dma_start3A_25 : memref<128x16xf32, #tpu.memory_space<vmem>>) offsets(%dma_start3A_28 : memref<128xi32, #tpu.memory_space<vmem>>) semaphore(%arg7 : memref<!tpu.dma_semaphore, #tpu.memory_space<semaphore_mem>>)
    %dma_start3A_32 = arith.constant 3 : i32
    %dma_start3A_33 = arith.constant 384 : i32
    %dma_start3A_34 = arith.constant 0 : i32
    %dma_start3A_35 = tpu.memref_slice %arg6[%dma_start3A_33, %dma_start3A_34] : memref<2048x16xf32, #tpu.memory_space<vmem>> -> memref<128x16xf32, #tpu.memory_space<vmem>>
    %dma_start3A_36 = arith.constant 0 : i32
    %dma_start3A_37 = tpu.memref_slice %arg5[%dma_start3A_32, %dma_start3A_36] : memref<16x128xi32, #tpu.memory_space<vmem>> -> memref<1x128xi32, #tpu.memory_space<vmem>>
    %dma_start3A_38 = tpu.memref_squeeze %dma_start3A_37 : memref<1x128xi32, #tpu.memory_space<vmem>> -> memref<128xi32, #tpu.memory_space<vmem>>
    %dma_start3A_39 = arith.constant 0 : i32
    %dma_start3A_40 = arith.constant 0 : i32
    %dma_start3A_41 = tpu.memref_slice %arg3[%dma_start3A_39, %dma_start3A_40] : memref<1000000x16xf32, #tpu.memory_space<hbm>> -> memref<1000000x16xf32, #tpu.memory_space<hbm>>
    tpu.enqueue_indirect_dma source(%dma_start3A_41 : memref<1000000x16xf32, #tpu.memory_space<hbm>>) target(%dma_start3A_35 : memref<128x16xf32, #tpu.memory_space<vmem>>) offsets(%dma_start3A_38 : memref<128xi32, #tpu.memory_space<vmem>>) semaphore(%arg7 : memref<!tpu.dma_semaphore, #tpu.memory_space<semaphore_mem>>)
    %dma_start3A_42 = arith.constant 4 : i32
    %dma_start3A_43 = arith.constant 512 : i32
    %dma_start3A_44 = arith.constant 0 : i32
    %dma_start3A_45 = tpu.memref_slice %arg6[%dma_start3A_43, %dma_start3A_44] : memref<2048x16xf32, #tpu.memory_space<vmem>> -> memref<128x16xf32, #tpu.memory_space<vmem>>
    %dma_start3A_46 = arith.constant 0 : i32
    %dma_start3A_47 = tpu.memref_slice %arg5[%dma_start3A_42, %dma_start3A_46] : memref<16x128xi32, #tpu.memory_space<vmem>> -> memref<1x128xi32, #tpu.memory_space<vmem>>
    %dma_start3A_48 = tpu.memref_squeeze %dma_start3A_47 : memref<1x128xi32, #tpu.memory_space<vmem>> -> memref<128xi32, #tpu.memory_space<vmem>>
    %dma_start3A_49 = arith.constant 0 : i32
    %dma_start3A_50 = arith.constant 0 : i32
    %dma_start3A_51 = tpu.memref_slice %arg3[%dma_start3A_49, %dma_start3A_50] : memref<1000000x16xf32, #tpu.memory_space<hbm>> -> memref<1000000x16xf32, #tpu.memory_space<hbm>>
    tpu.enqueue_indirect_dma source(%dma_start3A_51 : memref<1000000x16xf32, #tpu.memory_space<hbm>>) target(%dma_start3A_45 : memref<128x16xf32, #tpu.memory_space<vmem>>) offsets(%dma_start3A_48 : memref<128xi32, #tpu.memory_space<vmem>>) semaphore(%arg7 : memref<!tpu.dma_semaphore, #tpu.memory_space<semaphore_mem>>)
    %dma_start3A_52 = arith.constant 5 : i32
    %dma_start3A_53 = arith.constant 640 : i32
    %dma_start3A_54 = arith.constant 0 : i32
    %dma_start3A_55 = tpu.memref_slice %arg6[%dma_start3A_53, %dma_start3A_54] : memref<2048x16xf32, #tpu.memory_space<vmem>> -> memref<128x16xf32, #tpu.memory_space<vmem>>
    %dma_start3A_56 = arith.constant 0 : i32
    %dma_start3A_57 = tpu.memref_slice %arg5[%dma_start3A_52, %dma_start3A_56] : memref<16x128xi32, #tpu.memory_space<vmem>> -> memref<1x128xi32, #tpu.memory_space<vmem>>
    %dma_start3A_58 = tpu.memref_squeeze %dma_start3A_57 : memref<1x128xi32, #tpu.memory_space<vmem>> -> memref<128xi32, #tpu.memory_space<vmem>>
    %dma_start3A_59 = arith.constant 0 : i32
    %dma_start3A_60 = arith.constant 0 : i32
    %dma_start3A_61 = tpu.memref_slice %arg3[%dma_start3A_59, %dma_start3A_60] : memref<1000000x16xf32, #tpu.memory_space<hbm>> -> memref<1000000x16xf32, #tpu.memory_space<hbm>>
    tpu.enqueue_indirect_dma source(%dma_start3A_61 : memref<1000000x16xf32, #tpu.memory_space<hbm>>) target(%dma_start3A_55 : memref<128x16xf32, #tpu.memory_space<vmem>>) offsets(%dma_start3A_58 : memref<128xi32, #tpu.memory_space<vmem>>) semaphore(%arg7 : memref<!tpu.dma_semaphore, #tpu.memory_space<semaphore_mem>>)
    %dma_start3A_62 = arith.constant 6 : i32
    %dma_start3A_63 = arith.constant 768 : i32
    %dma_start3A_64 = arith.constant 0 : i32
    %dma_start3A_65 = tpu.memref_slice %arg6[%dma_start3A_63, %dma_start3A_64] : memref<2048x16xf32, #tpu.memory_space<vmem>> -> memref<128x16xf32, #tpu.memory_space<vmem>>
    %dma_start3A_66 = arith.constant 0 : i32
    %dma_start3A_67 = tpu.memref_slice %arg5[%dma_start3A_62, %dma_start3A_66] : memref<16x128xi32, #tpu.memory_space<vmem>> -> memref<1x128xi32, #tpu.memory_space<vmem>>
    %dma_start3A_68 = tpu.memref_squeeze %dma_start3A_67 : memref<1x128xi32, #tpu.memory_space<vmem>> -> memref<128xi32, #tpu.memory_space<vmem>>
    %dma_start3A_69 = arith.constant 0 : i32
    %dma_start3A_70 = arith.constant 0 : i32
    %dma_start3A_71 = tpu.memref_slice %arg3[%dma_start3A_69, %dma_start3A_70] : memref<1000000x16xf32, #tpu.memory_space<hbm>> -> memref<1000000x16xf32, #tpu.memory_space<hbm>>
    tpu.enqueue_indirect_dma source(%dma_start3A_71 : memref<1000000x16xf32, #tpu.memory_space<hbm>>) target(%dma_start3A_65 : memref<128x16xf32, #tpu.memory_space<vmem>>) offsets(%dma_start3A_68 : memref<128xi32, #tpu.memory_space<vmem>>) semaphore(%arg7 : memref<!tpu.dma_semaphore, #tpu.memory_space<semaphore_mem>>)
    %dma_start3A_72 = arith.constant 7 : i32
    %dma_start3A_73 = arith.constant 896 : i32
    %dma_start3A_74 = arith.constant 0 : i32
    %dma_start3A_75 = tpu.memref_slice %arg6[%dma_start3A_73, %dma_start3A_74] : memref<2048x16xf32, #tpu.memory_space<vmem>> -> memref<128x16xf32, #tpu.memory_space<vmem>>
    %dma_start3A_76 = arith.constant 0 : i32
    %dma_start3A_77 = tpu.memref_slice %arg5[%dma_start3A_72, %dma_start3A_76] : memref<16x128xi32, #tpu.memory_space<vmem>> -> memref<1x128xi32, #tpu.memory_space<vmem>>
    %dma_start3A_78 = tpu.memref_squeeze %dma_start3A_77 : memref<1x128xi32, #tpu.memory_space<vmem>> -> memref<128xi32, #tpu.memory_space<vmem>>
    %dma_start3A_79 = arith.constant 0 : i32
    %dma_start3A_80 = arith.constant 0 : i32
    %dma_start3A_81 = tpu.memref_slice %arg3[%dma_start3A_79, %dma_start3A_80] : memref<1000000x16xf32, #tpu.memory_space<hbm>> -> memref<1000000x16xf32, #tpu.memory_space<hbm>>
    tpu.enqueue_indirect_dma source(%dma_start3A_81 : memref<1000000x16xf32, #tpu.memory_space<hbm>>) target(%dma_start3A_75 : memref<128x16xf32, #tpu.memory_space<vmem>>) offsets(%dma_start3A_78 : memref<128xi32, #tpu.memory_space<vmem>>) semaphore(%arg7 : memref<!tpu.dma_semaphore, #tpu.memory_space<semaphore_mem>>)
    %dma_start3A_82 = arith.constant 8 : i32
    %dma_start3A_83 = arith.constant 1024 : i32
    %dma_start3A_84 = arith.constant 0 : i32
    %dma_start3A_85 = tpu.memref_slice %arg6[%dma_start3A_83, %dma_start3A_84] : memref<2048x16xf32, #tpu.memory_space<vmem>> -> memref<128x16xf32, #tpu.memory_space<vmem>>
    %dma_start3A_86 = arith.constant 0 : i32
    %dma_start3A_87 = tpu.memref_slice %arg5[%dma_start3A_82, %dma_start3A_86] : memref<16x128xi32, #tpu.memory_space<vmem>> -> memref<1x128xi32, #tpu.memory_space<vmem>>
    %dma_start3A_88 = tpu.memref_squeeze %dma_start3A_87 : memref<1x128xi32, #tpu.memory_space<vmem>> -> memref<128xi32, #tpu.memory_space<vmem>>
    %dma_start3A_89 = arith.constant 0 : i32
    %dma_start3A_90 = arith.constant 0 : i32
    %dma_start3A_91 = tpu.memref_slice %arg3[%dma_start3A_89, %dma_start3A_90] : memref<1000000x16xf32, #tpu.memory_space<hbm>> -> memref<1000000x16xf32, #tpu.memory_space<hbm>>
    tpu.enqueue_indirect_dma source(%dma_start3A_91 : memref<1000000x16xf32, #tpu.memory_space<hbm>>) target(%dma_start3A_85 : memref<128x16xf32, #tpu.memory_space<vmem>>) offsets(%dma_start3A_88 : memref<128xi32, #tpu.memory_space<vmem>>) semaphore(%arg7 : memref<!tpu.dma_semaphore, #tpu.memory_space<semaphore_mem>>)
    %dma_start3A_92 = arith.constant 9 : i32
    %dma_start3A_93 = arith.constant 1152 : i32
    %dma_start3A_94 = arith.constant 0 : i32
    %dma_start3A_95 = tpu.memref_slice %arg6[%dma_start3A_93, %dma_start3A_94] : memref<2048x16xf32, #tpu.memory_space<vmem>> -> memref<128x16xf32, #tpu.memory_space<vmem>>
    %dma_start3A_96 = arith.constant 0 : i32
    %dma_start3A_97 = tpu.memref_slice %arg5[%dma_start3A_92, %dma_start3A_96] : memref<16x128xi32, #tpu.memory_space<vmem>> -> memref<1x128xi32, #tpu.memory_space<vmem>>
    %dma_start3A_98 = tpu.memref_squeeze %dma_start3A_97 : memref<1x128xi32, #tpu.memory_space<vmem>> -> memref<128xi32, #tpu.memory_space<vmem>>
    %dma_start3A_99 = arith.constant 0 : i32
    %dma_start3A_100 = arith.constant 0 : i32
    %dma_start3A_101 = tpu.memref_slice %arg3[%dma_start3A_99, %dma_start3A_100] : memref<1000000x16xf32, #tpu.memory_space<hbm>> -> memref<1000000x16xf32, #tpu.memory_space<hbm>>
    tpu.enqueue_indirect_dma source(%dma_start3A_101 : memref<1000000x16xf32, #tpu.memory_space<hbm>>) target(%dma_start3A_95 : memref<128x16xf32, #tpu.memory_space<vmem>>) offsets(%dma_start3A_98 : memref<128xi32, #tpu.memory_space<vmem>>) semaphore(%arg7 : memref<!tpu.dma_semaphore, #tpu.memory_space<semaphore_mem>>)
    %dma_start3A_102 = arith.constant 10 : i32
    %dma_start3A_103 = arith.constant 1280 : i32
    %dma_start3A_104 = arith.constant 0 : i32
    %dma_start3A_105 = tpu.memref_slice %arg6[%dma_start3A_103, %dma_start3A_104] : memref<2048x16xf32, #tpu.memory_space<vmem>> -> memref<128x16xf32, #tpu.memory_space<vmem>>
    %dma_start3A_106 = arith.constant 0 : i32
    %dma_start3A_107 = tpu.memref_slice %arg5[%dma_start3A_102, %dma_start3A_106] : memref<16x128xi32, #tpu.memory_space<vmem>> -> memref<1x128xi32, #tpu.memory_space<vmem>>
    %dma_start3A_108 = tpu.memref_squeeze %dma_start3A_107 : memref<1x128xi32, #tpu.memory_space<vmem>> -> memref<128xi32, #tpu.memory_space<vmem>>
    %dma_start3A_109 = arith.constant 0 : i32
    %dma_start3A_110 = arith.constant 0 : i32
    %dma_start3A_111 = tpu.memref_slice %arg3[%dma_start3A_109, %dma_start3A_110] : memref<1000000x16xf32, #tpu.memory_space<hbm>> -> memref<1000000x16xf32, #tpu.memory_space<hbm>>
    tpu.enqueue_indirect_dma source(%dma_start3A_111 : memref<1000000x16xf32, #tpu.memory_space<hbm>>) target(%dma_start3A_105 : memref<128x16xf32, #tpu.memory_space<vmem>>) offsets(%dma_start3A_108 : memref<128xi32, #tpu.memory_space<vmem>>) semaphore(%arg7 : memref<!tpu.dma_semaphore, #tpu.memory_space<semaphore_mem>>)
    %dma_start3A_112 = arith.constant 11 : i32
    %dma_start3A_113 = arith.constant 1408 : i32
    %dma_start3A_114 = arith.constant 0 : i32
    %dma_start3A_115 = tpu.memref_slice %arg6[%dma_start3A_113, %dma_start3A_114] : memref<2048x16xf32, #tpu.memory_space<vmem>> -> memref<128x16xf32, #tpu.memory_space<vmem>>
    %dma_start3A_116 = arith.constant 0 : i32
    %dma_start3A_117 = tpu.memref_slice %arg5[%dma_start3A_112, %dma_start3A_116] : memref<16x128xi32, #tpu.memory_space<vmem>> -> memref<1x128xi32, #tpu.memory_space<vmem>>
    %dma_start3A_118 = tpu.memref_squeeze %dma_start3A_117 : memref<1x128xi32, #tpu.memory_space<vmem>> -> memref<128xi32, #tpu.memory_space<vmem>>
    %dma_start3A_119 = arith.constant 0 : i32
    %dma_start3A_120 = arith.constant 0 : i32
    %dma_start3A_121 = tpu.memref_slice %arg3[%dma_start3A_119, %dma_start3A_120] : memref<1000000x16xf32, #tpu.memory_space<hbm>> -> memref<1000000x16xf32, #tpu.memory_space<hbm>>
    tpu.enqueue_indirect_dma source(%dma_start3A_121 : memref<1000000x16xf32, #tpu.memory_space<hbm>>) target(%dma_start3A_115 : memref<128x16xf32, #tpu.memory_space<vmem>>) offsets(%dma_start3A_118 : memref<128xi32, #tpu.memory_space<vmem>>) semaphore(%arg7 : memref<!tpu.dma_semaphore, #tpu.memory_space<semaphore_mem>>)
    %dma_start3A_122 = arith.constant 12 : i32
    %dma_start3A_123 = arith.constant 1536 : i32
    %dma_start3A_124 = arith.constant 0 : i32
    %dma_start3A_125 = tpu.memref_slice %arg6[%dma_start3A_123, %dma_start3A_124] : memref<2048x16xf32, #tpu.memory_space<vmem>> -> memref<128x16xf32, #tpu.memory_space<vmem>>
    %dma_start3A_126 = arith.constant 0 : i32
    %dma_start3A_127 = tpu.memref_slice %arg5[%dma_start3A_122, %dma_start3A_126] : memref<16x128xi32, #tpu.memory_space<vmem>> -> memref<1x128xi32, #tpu.memory_space<vmem>>
    %dma_start3A_128 = tpu.memref_squeeze %dma_start3A_127 : memref<1x128xi32, #tpu.memory_space<vmem>> -> memref<128xi32, #tpu.memory_space<vmem>>
    %dma_start3A_129 = arith.constant 0 : i32
    %dma_start3A_130 = arith.constant 0 : i32
    %dma_start3A_131 = tpu.memref_slice %arg3[%dma_start3A_129, %dma_start3A_130] : memref<1000000x16xf32, #tpu.memory_space<hbm>> -> memref<1000000x16xf32, #tpu.memory_space<hbm>>
    tpu.enqueue_indirect_dma source(%dma_start3A_131 : memref<1000000x16xf32, #tpu.memory_space<hbm>>) target(%dma_start3A_125 : memref<128x16xf32, #tpu.memory_space<vmem>>) offsets(%dma_start3A_128 : memref<128xi32, #tpu.memory_space<vmem>>) semaphore(%arg7 : memref<!tpu.dma_semaphore, #tpu.memory_space<semaphore_mem>>)
    %dma_start3A_132 = arith.constant 13 : i32
    %dma_start3A_133 = arith.constant 1664 : i32
    %dma_start3A_134 = arith.constant 0 : i32
    %dma_start3A_135 = tpu.memref_slice %arg6[%dma_start3A_133, %dma_start3A_134] : memref<2048x16xf32, #tpu.memory_space<vmem>> -> memref<128x16xf32, #tpu.memory_space<vmem>>
    %dma_start3A_136 = arith.constant 0 : i32
    %dma_start3A_137 = tpu.memref_slice %arg5[%dma_start3A_132, %dma_start3A_136] : memref<16x128xi32, #tpu.memory_space<vmem>> -> memref<1x128xi32, #tpu.memory_space<vmem>>
    %dma_start3A_138 = tpu.memref_squeeze %dma_start3A_137 : memref<1x128xi32, #tpu.memory_space<vmem>> -> memref<128xi32, #tpu.memory_space<vmem>>
    %dma_start3A_139 = arith.constant 0 : i32
    %dma_start3A_140 = arith.constant 0 : i32
    %dma_start3A_141 = tpu.memref_slice %arg3[%dma_start3A_139, %dma_start3A_140] : memref<1000000x16xf32, #tpu.memory_space<hbm>> -> memref<1000000x16xf32, #tpu.memory_space<hbm>>
    tpu.enqueue_indirect_dma source(%dma_start3A_141 : memref<1000000x16xf32, #tpu.memory_space<hbm>>) target(%dma_start3A_135 : memref<128x16xf32, #tpu.memory_space<vmem>>) offsets(%dma_start3A_138 : memref<128xi32, #tpu.memory_space<vmem>>) semaphore(%arg7 : memref<!tpu.dma_semaphore, #tpu.memory_space<semaphore_mem>>)
    %dma_start3A_142 = arith.constant 14 : i32
    %dma_start3A_143 = arith.constant 1792 : i32
    %dma_start3A_144 = arith.constant 0 : i32
    %dma_start3A_145 = tpu.memref_slice %arg6[%dma_start3A_143, %dma_start3A_144] : memref<2048x16xf32, #tpu.memory_space<vmem>> -> memref<128x16xf32, #tpu.memory_space<vmem>>
    %dma_start3A_146 = arith.constant 0 : i32
    %dma_start3A_147 = tpu.memref_slice %arg5[%dma_start3A_142, %dma_start3A_146] : memref<16x128xi32, #tpu.memory_space<vmem>> -> memref<1x128xi32, #tpu.memory_space<vmem>>
    %dma_start3A_148 = tpu.memref_squeeze %dma_start3A_147 : memref<1x128xi32, #tpu.memory_space<vmem>> -> memref<128xi32, #tpu.memory_space<vmem>>
    %dma_start3A_149 = arith.constant 0 : i32
    %dma_start3A_150 = arith.constant 0 : i32
    %dma_start3A_151 = tpu.memref_slice %arg3[%dma_start3A_149, %dma_start3A_150] : memref<1000000x16xf32, #tpu.memory_space<hbm>> -> memref<1000000x16xf32, #tpu.memory_space<hbm>>
    tpu.enqueue_indirect_dma source(%dma_start3A_151 : memref<1000000x16xf32, #tpu.memory_space<hbm>>) target(%dma_start3A_145 : memref<128x16xf32, #tpu.memory_space<vmem>>) offsets(%dma_start3A_148 : memref<128xi32, #tpu.memory_space<vmem>>) semaphore(%arg7 : memref<!tpu.dma_semaphore, #tpu.memory_space<semaphore_mem>>)
    %dma_start3A_152 = arith.constant 15 : i32
    %dma_start3A_153 = arith.constant 1920 : i32
    %dma_start3A_154 = arith.constant 0 : i32
    %dma_start3A_155 = tpu.memref_slice %arg6[%dma_start3A_153, %dma_start3A_154] : memref<2048x16xf32, #tpu.memory_space<vmem>> -> memref<128x16xf32, #tpu.memory_space<vmem>>
    %dma_start3A_156 = arith.constant 0 : i32
    %dma_start3A_157 = tpu.memref_slice %arg5[%dma_start3A_152, %dma_start3A_156] : memref<16x128xi32, #tpu.memory_space<vmem>> -> memref<1x128xi32, #tpu.memory_space<vmem>>
    %dma_start3A_158 = tpu.memref_squeeze %dma_start3A_157 : memref<1x128xi32, #tpu.memory_space<vmem>> -> memref<128xi32, #tpu.memory_space<vmem>>
    %dma_start3A_159 = arith.constant 0 : i32
    %dma_start3A_160 = arith.constant 0 : i32
    %dma_start3A_161 = tpu.memref_slice %arg3[%dma_start3A_159, %dma_start3A_160] : memref<1000000x16xf32, #tpu.memory_space<hbm>> -> memref<1000000x16xf32, #tpu.memory_space<hbm>>
    tpu.enqueue_indirect_dma source(%dma_start3A_161 : memref<1000000x16xf32, #tpu.memory_space<hbm>>) target(%dma_start3A_155 : memref<128x16xf32, #tpu.memory_space<vmem>>) offsets(%dma_start3A_158 : memref<128xi32, #tpu.memory_space<vmem>>) semaphore(%arg7 : memref<!tpu.dma_semaphore, #tpu.memory_space<semaphore_mem>>)
    %dma_wait3A = arith.constant 0 : i32
    %dma_wait3A_162 = arith.constant 0 : i32
    %dma_wait3A_163 = arith.constant 0 : i32
    %dma_wait3A_164 = tpu.memref_slice %arg6[%dma_wait3A_162, %dma_wait3A_163] : memref<2048x16xf32, #tpu.memory_space<vmem>> -> memref<128x16xf32, #tpu.memory_space<vmem>>
    %dma_wait3A_165 = arith.constant 0 : i32
    %dma_wait3A_166 = tpu.memref_slice %arg5[%dma_wait3A, %dma_wait3A_165] : memref<16x128xi32, #tpu.memory_space<vmem>> -> memref<1x128xi32, #tpu.memory_space<vmem>>
    %dma_wait3A_167 = tpu.memref_squeeze %dma_wait3A_166 : memref<1x128xi32, #tpu.memory_space<vmem>> -> memref<128xi32, #tpu.memory_space<vmem>>
    %dma_wait3A_168 = arith.constant 0 : i32
    %dma_wait3A_169 = arith.constant 0 : i32
    %dma_wait3A_170 = tpu.memref_slice %arg3[%dma_wait3A_168, %dma_wait3A_169] : memref<1000000x16xf32, #tpu.memory_space<hbm>> -> memref<1000000x16xf32, #tpu.memory_space<hbm>>
    tpu.wait_indirect_dma semaphore(%arg7 : memref<!tpu.dma_semaphore, #tpu.memory_space<semaphore_mem>>) src(%dma_wait3A_170 : memref<1000000x16xf32, #tpu.memory_space<hbm>>) dst(%dma_wait3A_164 : memref<128x16xf32, #tpu.memory_space<vmem>>)
    %dma_wait3A_171 = arith.constant 1 : i32
    %dma_wait3A_172 = arith.constant 128 : i32
    %dma_wait3A_173 = arith.constant 0 : i32
    %dma_wait3A_174 = tpu.memref_slice %arg6[%dma_wait3A_172, %dma_wait3A_173] : memref<2048x16xf32, #tpu.memory_space<vmem>> -> memref<128x16xf32, #tpu.memory_space<vmem>>
    %dma_wait3A_175 = arith.constant 0 : i32
    %dma_wait3A_176 = tpu.memref_slice %arg5[%dma_wait3A_171, %dma_wait3A_175] : memref<16x128xi32, #tpu.memory_space<vmem>> -> memref<1x128xi32, #tpu.memory_space<vmem>>
    %dma_wait3A_177 = tpu.memref_squeeze %dma_wait3A_176 : memref<1x128xi32, #tpu.memory_space<vmem>> -> memref<128xi32, #tpu.memory_space<vmem>>
    %dma_wait3A_178 = arith.constant 0 : i32
    %dma_wait3A_179 = arith.constant 0 : i32
    %dma_wait3A_180 = tpu.memref_slice %arg3[%dma_wait3A_178, %dma_wait3A_179] : memref<1000000x16xf32, #tpu.memory_space<hbm>> -> memref<1000000x16xf32, #tpu.memory_space<hbm>>
    tpu.wait_indirect_dma semaphore(%arg7 : memref<!tpu.dma_semaphore, #tpu.memory_space<semaphore_mem>>) src(%dma_wait3A_180 : memref<1000000x16xf32, #tpu.memory_space<hbm>>) dst(%dma_wait3A_174 : memref<128x16xf32, #tpu.memory_space<vmem>>)
    %dma_wait3A_181 = arith.constant 2 : i32
    %dma_wait3A_182 = arith.constant 256 : i32
    %dma_wait3A_183 = arith.constant 0 : i32
    %dma_wait3A_184 = tpu.memref_slice %arg6[%dma_wait3A_182, %dma_wait3A_183] : memref<2048x16xf32, #tpu.memory_space<vmem>> -> memref<128x16xf32, #tpu.memory_space<vmem>>
    %dma_wait3A_185 = arith.constant 0 : i32
    %dma_wait3A_186 = tpu.memref_slice %arg5[%dma_wait3A_181, %dma_wait3A_185] : memref<16x128xi32, #tpu.memory_space<vmem>> -> memref<1x128xi32, #tpu.memory_space<vmem>>
    %dma_wait3A_187 = tpu.memref_squeeze %dma_wait3A_186 : memref<1x128xi32, #tpu.memory_space<vmem>> -> memref<128xi32, #tpu.memory_space<vmem>>
    %dma_wait3A_188 = arith.constant 0 : i32
    %dma_wait3A_189 = arith.constant 0 : i32
    %dma_wait3A_190 = tpu.memref_slice %arg3[%dma_wait3A_188, %dma_wait3A_189] : memref<1000000x16xf32, #tpu.memory_space<hbm>> -> memref<1000000x16xf32, #tpu.memory_space<hbm>>
    tpu.wait_indirect_dma semaphore(%arg7 : memref<!tpu.dma_semaphore, #tpu.memory_space<semaphore_mem>>) src(%dma_wait3A_190 : memref<1000000x16xf32, #tpu.memory_space<hbm>>) dst(%dma_wait3A_184 : memref<128x16xf32, #tpu.memory_space<vmem>>)
    %dma_wait3A_191 = arith.constant 3 : i32
    %dma_wait3A_192 = arith.constant 384 : i32
    %dma_wait3A_193 = arith.constant 0 : i32
    %dma_wait3A_194 = tpu.memref_slice %arg6[%dma_wait3A_192, %dma_wait3A_193] : memref<2048x16xf32, #tpu.memory_space<vmem>> -> memref<128x16xf32, #tpu.memory_space<vmem>>
    %dma_wait3A_195 = arith.constant 0 : i32
    %dma_wait3A_196 = tpu.memref_slice %arg5[%dma_wait3A_191, %dma_wait3A_195] : memref<16x128xi32, #tpu.memory_space<vmem>> -> memref<1x128xi32, #tpu.memory_space<vmem>>
    %dma_wait3A_197 = tpu.memref_squeeze %dma_wait3A_196 : memref<1x128xi32, #tpu.memory_space<vmem>> -> memref<128xi32, #tpu.memory_space<vmem>>
    %dma_wait3A_198 = arith.constant 0 : i32
    %dma_wait3A_199 = arith.constant 0 : i32
    %dma_wait3A_200 = tpu.memref_slice %arg3[%dma_wait3A_198, %dma_wait3A_199] : memref<1000000x16xf32, #tpu.memory_space<hbm>> -> memref<1000000x16xf32, #tpu.memory_space<hbm>>
    tpu.wait_indirect_dma semaphore(%arg7 : memref<!tpu.dma_semaphore, #tpu.memory_space<semaphore_mem>>) src(%dma_wait3A_200 : memref<1000000x16xf32, #tpu.memory_space<hbm>>) dst(%dma_wait3A_194 : memref<128x16xf32, #tpu.memory_space<vmem>>)
    %dma_wait3A_201 = arith.constant 4 : i32
    %dma_wait3A_202 = arith.constant 512 : i32
    %dma_wait3A_203 = arith.constant 0 : i32
    %dma_wait3A_204 = tpu.memref_slice %arg6[%dma_wait3A_202, %dma_wait3A_203] : memref<2048x16xf32, #tpu.memory_space<vmem>> -> memref<128x16xf32, #tpu.memory_space<vmem>>
    %dma_wait3A_205 = arith.constant 0 : i32
    %dma_wait3A_206 = tpu.memref_slice %arg5[%dma_wait3A_201, %dma_wait3A_205] : memref<16x128xi32, #tpu.memory_space<vmem>> -> memref<1x128xi32, #tpu.memory_space<vmem>>
    %dma_wait3A_207 = tpu.memref_squeeze %dma_wait3A_206 : memref<1x128xi32, #tpu.memory_space<vmem>> -> memref<128xi32, #tpu.memory_space<vmem>>
    %dma_wait3A_208 = arith.constant 0 : i32
    %dma_wait3A_209 = arith.constant 0 : i32
    %dma_wait3A_210 = tpu.memref_slice %arg3[%dma_wait3A_208, %dma_wait3A_209] : memref<1000000x16xf32, #tpu.memory_space<hbm>> -> memref<1000000x16xf32, #tpu.memory_space<hbm>>
    tpu.wait_indirect_dma semaphore(%arg7 : memref<!tpu.dma_semaphore, #tpu.memory_space<semaphore_mem>>) src(%dma_wait3A_210 : memref<1000000x16xf32, #tpu.memory_space<hbm>>) dst(%dma_wait3A_204 : memref<128x16xf32, #tpu.memory_space<vmem>>)
    %dma_wait3A_211 = arith.constant 5 : i32
    %dma_wait3A_212 = arith.constant 640 : i32
    %dma_wait3A_213 = arith.constant 0 : i32
    %dma_wait3A_214 = tpu.memref_slice %arg6[%dma_wait3A_212, %dma_wait3A_213] : memref<2048x16xf32, #tpu.memory_space<vmem>> -> memref<128x16xf32, #tpu.memory_space<vmem>>
    %dma_wait3A_215 = arith.constant 0 : i32
    %dma_wait3A_216 = tpu.memref_slice %arg5[%dma_wait3A_211, %dma_wait3A_215] : memref<16x128xi32, #tpu.memory_space<vmem>> -> memref<1x128xi32, #tpu.memory_space<vmem>>
    %dma_wait3A_217 = tpu.memref_squeeze %dma_wait3A_216 : memref<1x128xi32, #tpu.memory_space<vmem>> -> memref<128xi32, #tpu.memory_space<vmem>>
    %dma_wait3A_218 = arith.constant 0 : i32
    %dma_wait3A_219 = arith.constant 0 : i32
    %dma_wait3A_220 = tpu.memref_slice %arg3[%dma_wait3A_218, %dma_wait3A_219] : memref<1000000x16xf32, #tpu.memory_space<hbm>> -> memref<1000000x16xf32, #tpu.memory_space<hbm>>
    tpu.wait_indirect_dma semaphore(%arg7 : memref<!tpu.dma_semaphore, #tpu.memory_space<semaphore_mem>>) src(%dma_wait3A_220 : memref<1000000x16xf32, #tpu.memory_space<hbm>>) dst(%dma_wait3A_214 : memref<128x16xf32, #tpu.memory_space<vmem>>)
    %dma_wait3A_221 = arith.constant 6 : i32
    %dma_wait3A_222 = arith.constant 768 : i32
    %dma_wait3A_223 = arith.constant 0 : i32
    %dma_wait3A_224 = tpu.memref_slice %arg6[%dma_wait3A_222, %dma_wait3A_223] : memref<2048x16xf32, #tpu.memory_space<vmem>> -> memref<128x16xf32, #tpu.memory_space<vmem>>
    %dma_wait3A_225 = arith.constant 0 : i32
    %dma_wait3A_226 = tpu.memref_slice %arg5[%dma_wait3A_221, %dma_wait3A_225] : memref<16x128xi32, #tpu.memory_space<vmem>> -> memref<1x128xi32, #tpu.memory_space<vmem>>
    %dma_wait3A_227 = tpu.memref_squeeze %dma_wait3A_226 : memref<1x128xi32, #tpu.memory_space<vmem>> -> memref<128xi32, #tpu.memory_space<vmem>>
    %dma_wait3A_228 = arith.constant 0 : i32
    %dma_wait3A_229 = arith.constant 0 : i32
    %dma_wait3A_230 = tpu.memref_slice %arg3[%dma_wait3A_228, %dma_wait3A_229] : memref<1000000x16xf32, #tpu.memory_space<hbm>> -> memref<1000000x16xf32, #tpu.memory_space<hbm>>
    tpu.wait_indirect_dma semaphore(%arg7 : memref<!tpu.dma_semaphore, #tpu.memory_space<semaphore_mem>>) src(%dma_wait3A_230 : memref<1000000x16xf32, #tpu.memory_space<hbm>>) dst(%dma_wait3A_224 : memref<128x16xf32, #tpu.memory_space<vmem>>)
    %dma_wait3A_231 = arith.constant 7 : i32
    %dma_wait3A_232 = arith.constant 896 : i32
    %dma_wait3A_233 = arith.constant 0 : i32
    %dma_wait3A_234 = tpu.memref_slice %arg6[%dma_wait3A_232, %dma_wait3A_233] : memref<2048x16xf32, #tpu.memory_space<vmem>> -> memref<128x16xf32, #tpu.memory_space<vmem>>
    %dma_wait3A_235 = arith.constant 0 : i32
    %dma_wait3A_236 = tpu.memref_slice %arg5[%dma_wait3A_231, %dma_wait3A_235] : memref<16x128xi32, #tpu.memory_space<vmem>> -> memref<1x128xi32, #tpu.memory_space<vmem>>
    %dma_wait3A_237 = tpu.memref_squeeze %dma_wait3A_236 : memref<1x128xi32, #tpu.memory_space<vmem>> -> memref<128xi32, #tpu.memory_space<vmem>>
    %dma_wait3A_238 = arith.constant 0 : i32
    %dma_wait3A_239 = arith.constant 0 : i32
    %dma_wait3A_240 = tpu.memref_slice %arg3[%dma_wait3A_238, %dma_wait3A_239] : memref<1000000x16xf32, #tpu.memory_space<hbm>> -> memref<1000000x16xf32, #tpu.memory_space<hbm>>
    tpu.wait_indirect_dma semaphore(%arg7 : memref<!tpu.dma_semaphore, #tpu.memory_space<semaphore_mem>>) src(%dma_wait3A_240 : memref<1000000x16xf32, #tpu.memory_space<hbm>>) dst(%dma_wait3A_234 : memref<128x16xf32, #tpu.memory_space<vmem>>)
    %dma_wait3A_241 = arith.constant 8 : i32
    %dma_wait3A_242 = arith.constant 1024 : i32
    %dma_wait3A_243 = arith.constant 0 : i32
    %dma_wait3A_244 = tpu.memref_slice %arg6[%dma_wait3A_242, %dma_wait3A_243] : memref<2048x16xf32, #tpu.memory_space<vmem>> -> memref<128x16xf32, #tpu.memory_space<vmem>>
    %dma_wait3A_245 = arith.constant 0 : i32
    %dma_wait3A_246 = tpu.memref_slice %arg5[%dma_wait3A_241, %dma_wait3A_245] : memref<16x128xi32, #tpu.memory_space<vmem>> -> memref<1x128xi32, #tpu.memory_space<vmem>>
    %dma_wait3A_247 = tpu.memref_squeeze %dma_wait3A_246 : memref<1x128xi32, #tpu.memory_space<vmem>> -> memref<128xi32, #tpu.memory_space<vmem>>
    %dma_wait3A_248 = arith.constant 0 : i32
    %dma_wait3A_249 = arith.constant 0 : i32
    %dma_wait3A_250 = tpu.memref_slice %arg3[%dma_wait3A_248, %dma_wait3A_249] : memref<1000000x16xf32, #tpu.memory_space<hbm>> -> memref<1000000x16xf32, #tpu.memory_space<hbm>>
    tpu.wait_indirect_dma semaphore(%arg7 : memref<!tpu.dma_semaphore, #tpu.memory_space<semaphore_mem>>) src(%dma_wait3A_250 : memref<1000000x16xf32, #tpu.memory_space<hbm>>) dst(%dma_wait3A_244 : memref<128x16xf32, #tpu.memory_space<vmem>>)
    %dma_wait3A_251 = arith.constant 9 : i32
    %dma_wait3A_252 = arith.constant 1152 : i32
    %dma_wait3A_253 = arith.constant 0 : i32
    %dma_wait3A_254 = tpu.memref_slice %arg6[%dma_wait3A_252, %dma_wait3A_253] : memref<2048x16xf32, #tpu.memory_space<vmem>> -> memref<128x16xf32, #tpu.memory_space<vmem>>
    %dma_wait3A_255 = arith.constant 0 : i32
    %dma_wait3A_256 = tpu.memref_slice %arg5[%dma_wait3A_251, %dma_wait3A_255] : memref<16x128xi32, #tpu.memory_space<vmem>> -> memref<1x128xi32, #tpu.memory_space<vmem>>
    %dma_wait3A_257 = tpu.memref_squeeze %dma_wait3A_256 : memref<1x128xi32, #tpu.memory_space<vmem>> -> memref<128xi32, #tpu.memory_space<vmem>>
    %dma_wait3A_258 = arith.constant 0 : i32
    %dma_wait3A_259 = arith.constant 0 : i32
    %dma_wait3A_260 = tpu.memref_slice %arg3[%dma_wait3A_258, %dma_wait3A_259] : memref<1000000x16xf32, #tpu.memory_space<hbm>> -> memref<1000000x16xf32, #tpu.memory_space<hbm>>
    tpu.wait_indirect_dma semaphore(%arg7 : memref<!tpu.dma_semaphore, #tpu.memory_space<semaphore_mem>>) src(%dma_wait3A_260 : memref<1000000x16xf32, #tpu.memory_space<hbm>>) dst(%dma_wait3A_254 : memref<128x16xf32, #tpu.memory_space<vmem>>)
    %dma_wait3A_261 = arith.constant 10 : i32
    %dma_wait3A_262 = arith.constant 1280 : i32
    %dma_wait3A_263 = arith.constant 0 : i32
    %dma_wait3A_264 = tpu.memref_slice %arg6[%dma_wait3A_262, %dma_wait3A_263] : memref<2048x16xf32, #tpu.memory_space<vmem>> -> memref<128x16xf32, #tpu.memory_space<vmem>>
    %dma_wait3A_265 = arith.constant 0 : i32
    %dma_wait3A_266 = tpu.memref_slice %arg5[%dma_wait3A_261, %dma_wait3A_265] : memref<16x128xi32, #tpu.memory_space<vmem>> -> memref<1x128xi32, #tpu.memory_space<vmem>>
    %dma_wait3A_267 = tpu.memref_squeeze %dma_wait3A_266 : memref<1x128xi32, #tpu.memory_space<vmem>> -> memref<128xi32, #tpu.memory_space<vmem>>
    %dma_wait3A_268 = arith.constant 0 : i32
    %dma_wait3A_269 = arith.constant 0 : i32
    %dma_wait3A_270 = tpu.memref_slice %arg3[%dma_wait3A_268, %dma_wait3A_269] : memref<1000000x16xf32, #tpu.memory_space<hbm>> -> memref<1000000x16xf32, #tpu.memory_space<hbm>>
    tpu.wait_indirect_dma semaphore(%arg7 : memref<!tpu.dma_semaphore, #tpu.memory_space<semaphore_mem>>) src(%dma_wait3A_270 : memref<1000000x16xf32, #tpu.memory_space<hbm>>) dst(%dma_wait3A_264 : memref<128x16xf32, #tpu.memory_space<vmem>>)
    %dma_wait3A_271 = arith.constant 11 : i32
    %dma_wait3A_272 = arith.constant 1408 : i32
    %dma_wait3A_273 = arith.constant 0 : i32
    %dma_wait3A_274 = tpu.memref_slice %arg6[%dma_wait3A_272, %dma_wait3A_273] : memref<2048x16xf32, #tpu.memory_space<vmem>> -> memref<128x16xf32, #tpu.memory_space<vmem>>
    %dma_wait3A_275 = arith.constant 0 : i32
    %dma_wait3A_276 = tpu.memref_slice %arg5[%dma_wait3A_271, %dma_wait3A_275] : memref<16x128xi32, #tpu.memory_space<vmem>> -> memref<1x128xi32, #tpu.memory_space<vmem>>
    %dma_wait3A_277 = tpu.memref_squeeze %dma_wait3A_276 : memref<1x128xi32, #tpu.memory_space<vmem>> -> memref<128xi32, #tpu.memory_space<vmem>>
    %dma_wait3A_278 = arith.constant 0 : i32
    %dma_wait3A_279 = arith.constant 0 : i32
    %dma_wait3A_280 = tpu.memref_slice %arg3[%dma_wait3A_278, %dma_wait3A_279] : memref<1000000x16xf32, #tpu.memory_space<hbm>> -> memref<1000000x16xf32, #tpu.memory_space<hbm>>
    tpu.wait_indirect_dma semaphore(%arg7 : memref<!tpu.dma_semaphore, #tpu.memory_space<semaphore_mem>>) src(%dma_wait3A_280 : memref<1000000x16xf32, #tpu.memory_space<hbm>>) dst(%dma_wait3A_274 : memref<128x16xf32, #tpu.memory_space<vmem>>)
    %dma_wait3A_281 = arith.constant 12 : i32
    %dma_wait3A_282 = arith.constant 1536 : i32
    %dma_wait3A_283 = arith.constant 0 : i32
    %dma_wait3A_284 = tpu.memref_slice %arg6[%dma_wait3A_282, %dma_wait3A_283] : memref<2048x16xf32, #tpu.memory_space<vmem>> -> memref<128x16xf32, #tpu.memory_space<vmem>>
    %dma_wait3A_285 = arith.constant 0 : i32
    %dma_wait3A_286 = tpu.memref_slice %arg5[%dma_wait3A_281, %dma_wait3A_285] : memref<16x128xi32, #tpu.memory_space<vmem>> -> memref<1x128xi32, #tpu.memory_space<vmem>>
    %dma_wait3A_287 = tpu.memref_squeeze %dma_wait3A_286 : memref<1x128xi32, #tpu.memory_space<vmem>> -> memref<128xi32, #tpu.memory_space<vmem>>
    %dma_wait3A_288 = arith.constant 0 : i32
    %dma_wait3A_289 = arith.constant 0 : i32
    %dma_wait3A_290 = tpu.memref_slice %arg3[%dma_wait3A_288, %dma_wait3A_289] : memref<1000000x16xf32, #tpu.memory_space<hbm>> -> memref<1000000x16xf32, #tpu.memory_space<hbm>>
    tpu.wait_indirect_dma semaphore(%arg7 : memref<!tpu.dma_semaphore, #tpu.memory_space<semaphore_mem>>) src(%dma_wait3A_290 : memref<1000000x16xf32, #tpu.memory_space<hbm>>) dst(%dma_wait3A_284 : memref<128x16xf32, #tpu.memory_space<vmem>>)
    %dma_wait3A_291 = arith.constant 13 : i32
    %dma_wait3A_292 = arith.constant 1664 : i32
    %dma_wait3A_293 = arith.constant 0 : i32
    %dma_wait3A_294 = tpu.memref_slice %arg6[%dma_wait3A_292, %dma_wait3A_293] : memref<2048x16xf32, #tpu.memory_space<vmem>> -> memref<128x16xf32, #tpu.memory_space<vmem>>
    %dma_wait3A_295 = arith.constant 0 : i32
    %dma_wait3A_296 = tpu.memref_slice %arg5[%dma_wait3A_291, %dma_wait3A_295] : memref<16x128xi32, #tpu.memory_space<vmem>> -> memref<1x128xi32, #tpu.memory_space<vmem>>
    %dma_wait3A_297 = tpu.memref_squeeze %dma_wait3A_296 : memref<1x128xi32, #tpu.memory_space<vmem>> -> memref<128xi32, #tpu.memory_space<vmem>>
    %dma_wait3A_298 = arith.constant 0 : i32
    %dma_wait3A_299 = arith.constant 0 : i32
    %dma_wait3A_300 = tpu.memref_slice %arg3[%dma_wait3A_298, %dma_wait3A_299] : memref<1000000x16xf32, #tpu.memory_space<hbm>> -> memref<1000000x16xf32, #tpu.memory_space<hbm>>
    tpu.wait_indirect_dma semaphore(%arg7 : memref<!tpu.dma_semaphore, #tpu.memory_space<semaphore_mem>>) src(%dma_wait3A_300 : memref<1000000x16xf32, #tpu.memory_space<hbm>>) dst(%dma_wait3A_294 : memref<128x16xf32, #tpu.memory_space<vmem>>)
    %dma_wait3A_301 = arith.constant 14 : i32
    %dma_wait3A_302 = arith.constant 1792 : i32
    %dma_wait3A_303 = arith.constant 0 : i32
    %dma_wait3A_304 = tpu.memref_slice %arg6[%dma_wait3A_302, %dma_wait3A_303] : memref<2048x16xf32, #tpu.memory_space<vmem>> -> memref<128x16xf32, #tpu.memory_space<vmem>>
    %dma_wait3A_305 = arith.constant 0 : i32
    %dma_wait3A_306 = tpu.memref_slice %arg5[%dma_wait3A_301, %dma_wait3A_305] : memref<16x128xi32, #tpu.memory_space<vmem>> -> memref<1x128xi32, #tpu.memory_space<vmem>>
    %dma_wait3A_307 = tpu.memref_squeeze %dma_wait3A_306 : memref<1x128xi32, #tpu.memory_space<vmem>> -> memref<128xi32, #tpu.memory_space<vmem>>
    %dma_wait3A_308 = arith.constant 0 : i32
    %dma_wait3A_309 = arith.constant 0 : i32
    %dma_wait3A_310 = tpu.memref_slice %arg3[%dma_wait3A_308, %dma_wait3A_309] : memref<1000000x16xf32, #tpu.memory_space<hbm>> -> memref<1000000x16xf32, #tpu.memory_space<hbm>>
    tpu.wait_indirect_dma semaphore(%arg7 : memref<!tpu.dma_semaphore, #tpu.memory_space<semaphore_mem>>) src(%dma_wait3A_310 : memref<1000000x16xf32, #tpu.memory_space<hbm>>) dst(%dma_wait3A_304 : memref<128x16xf32, #tpu.memory_space<vmem>>)
    %dma_wait3A_311 = arith.constant 15 : i32
    %dma_wait3A_312 = arith.constant 1920 : i32
    %dma_wait3A_313 = arith.constant 0 : i32
    %dma_wait3A_314 = tpu.memref_slice %arg6[%dma_wait3A_312, %dma_wait3A_313] : memref<2048x16xf32, #tpu.memory_space<vmem>> -> memref<128x16xf32, #tpu.memory_space<vmem>>
    %dma_wait3A_315 = arith.constant 0 : i32
    %dma_wait3A_316 = tpu.memref_slice %arg5[%dma_wait3A_311, %dma_wait3A_315] : memref<16x128xi32, #tpu.memory_space<vmem>> -> memref<1x128xi32, #tpu.memory_space<vmem>>
    %dma_wait3A_317 = tpu.memref_squeeze %dma_wait3A_316 : memref<1x128xi32, #tpu.memory_space<vmem>> -> memref<128xi32, #tpu.memory_space<vmem>>
    %dma_wait3A_318 = arith.constant 0 : i32
    %dma_wait3A_319 = arith.constant 0 : i32
    %dma_wait3A_320 = tpu.memref_slice %arg3[%dma_wait3A_318, %dma_wait3A_319] : memref<1000000x16xf32, #tpu.memory_space<hbm>> -> memref<1000000x16xf32, #tpu.memory_space<hbm>>
    tpu.wait_indirect_dma semaphore(%arg7 : memref<!tpu.dma_semaphore, #tpu.memory_space<semaphore_mem>>) src(%dma_wait3A_320 : memref<1000000x16xf32, #tpu.memory_space<hbm>>) dst(%dma_wait3A_314 : memref<128x16xf32, #tpu.memory_space<vmem>>)
    "tpu.region"() ({
      %run_scoped3A = tpu.sem_alloc : memref<!tpu.dma_semaphore, #tpu.memory_space<semaphore_mem>>
      %dma_start3A_321 = arith.constant 0 : i32
      %dma_start3A_322 = tpu.memref_slice %arg4[%mul3A_2, %dma_start3A_321] : memref<65536x16xf32, #tpu.memory_space<hbm>> -> memref<2048x16xf32, #tpu.memory_space<hbm>>
      %dma_start3A_323 = arith.constant 0 : i32
      %dma_start3A_324 = tpu.memref_slice %arg4[%mul3A_2, %dma_start3A_323] : memref<65536x16xf32, #tpu.memory_space<hbm>> -> memref<2048x16xf32, #tpu.memory_space<hbm>>
      tpu.enqueue_dma source(%arg6 : memref<2048x16xf32, #tpu.memory_space<vmem>>) target(%dma_start3A_324 : memref<2048x16xf32, #tpu.memory_space<hbm>>) target_semaphore(%run_scoped3A : memref<!tpu.dma_semaphore, #tpu.memory_space<semaphore_mem>>)
      %dma_wait3A_325 = arith.constant 0 : i32
      %dma_wait3A_326 = tpu.memref_slice %arg4[%mul3A_2, %dma_wait3A_325] : memref<65536x16xf32, #tpu.memory_space<hbm>> -> memref<2048x16xf32, #tpu.memory_space<hbm>>
      %dma_wait3A_327 = arith.constant 0 : i32
      %dma_wait3A_328 = tpu.memref_slice %arg4[%mul3A_2, %dma_wait3A_327] : memref<65536x16xf32, #tpu.memory_space<hbm>> -> memref<2048x16xf32, #tpu.memory_space<hbm>>
      tpu.wait_dma2 semaphore(%run_scoped3A : memref<!tpu.dma_semaphore, #tpu.memory_space<semaphore_mem>>) src(%arg6 : memref<2048x16xf32, #tpu.memory_space<vmem>>) dst(%dma_wait3A_328 : memref<2048x16xf32, #tpu.memory_space<hbm>>)
      tpu.yield
    }) : () -> ()
    return
  }
}

module attributes {stable_mosaic.version = 14 : i64} {
  func.func @_mlp_body(%arg0: i32, %arg1: memref<4x512x128xf32, #tpu.memory_space<vmem>>, %arg2: memref<4x128x256xf32, #tpu.memory_space<vmem>>, %arg3: memref<4x1x256xf32, #tpu.memory_space<vmem>>, %arg4: memref<256x128xf32, #tpu.memory_space<vmem>>, %arg5: memref<1x128xf32, #tpu.memory_space<vmem>>, %arg6: memref<512x128xf32, #tpu.memory_space<vmem>>) attributes {dimension_semantics = [#tpu.dimension_semantics<arbitrary>], iteration_bounds = array<i64: 4>, scalar_prefetch = 0 : i64, scratch_operands = 0 : i64, tpu.core_type = #tpu.core_type<tc>, window_params = [{transform_indices = @transform_0, window_bounds = array<i64: 4, 512, 128>}, {pipeline_mode = #tpu.pipeline_mode<synchronous>, transform_indices = @transform_1, window_bounds = array<i64: 4, 128, 256>}, {pipeline_mode = #tpu.pipeline_mode<synchronous>, transform_indices = @transform_2, window_bounds = array<i64: 4, 1, 256>}, {pipeline_mode = #tpu.pipeline_mode<synchronous>, transform_indices = @transform_3, window_bounds = array<i64: 256, 128>}, {pipeline_mode = #tpu.pipeline_mode<synchronous>, transform_indices = @transform_4, window_bounds = array<i64: 1, 128>}, {transform_indices = @transform_5, window_bounds = array<i64: 512, 128>}]} {
    %broadcast_in_dim3A = arith.constant 0.000000e+00 : f32
    %broadcast_in_dim3A_0 = vector.broadcast %broadcast_in_dim3A : f32 to vector<512x256xf32>
    %get3A = arith.constant 0 : index
    %get3A_1 = arith.constant 0 : index
    %get3A_2 = arith.constant 0 : index
    %get3A_3 = vector.load %arg1[%get3A, %get3A_1, %get3A_2] : memref<4x512x128xf32, #tpu.memory_space<vmem>>, vector<1x512x128xf32>
    %get3A_4 = vector.shape_cast %get3A_3 : vector<1x512x128xf32> to vector<512x128xf32>
    %get3A_5 = arith.constant 0 : index
    %get3A_6 = arith.constant 0 : index
    %get3A_7 = arith.constant 0 : index
    %get3A_8 = vector.load %arg2[%get3A_5, %get3A_6, %get3A_7] : memref<4x128x256xf32, #tpu.memory_space<vmem>>, vector<1x128x256xf32>
    %get3A_9 = vector.shape_cast %get3A_8 : vector<1x128x256xf32> to vector<128x256xf32>
    %dot_general3A = arith.constant dense<0.000000e+00> : vector<512x256xf32>
    %dot_general3A_10 = tpu.matmul %get3A_4, %get3A_9, %dot_general3A {dimension_numbers = #tpu.dot_dimension_numbers<[1], [0], [0], [1], [0, 0, 1, 1], [], []>, transpose_lhs_hint = false} : vector<512x128xf32>, vector<128x256xf32>, vector<512x256xf32> -> vector<512x256xf32>
    %get3A_11 = arith.constant 0 : index
    %get3A_12 = arith.constant 0 : index
    %get3A_13 = arith.constant 0 : index
    %get3A_14 = vector.load %arg3[%get3A_11, %get3A_12, %get3A_13] : memref<4x1x256xf32, #tpu.memory_space<vmem>>, vector<1x1x256xf32>
    %get3A_15 = vector.shape_cast %get3A_14 : vector<1x1x256xf32> to vector<1x256xf32>
    %add3A = vector.broadcast %get3A_15 : vector<1x256xf32> to vector<512x256xf32>
    %add3A_16 = arith.addf %dot_general3A_10, %add3A : vector<512x256xf32>
    %max3A = arith.constant 0.000000e+00 : f32
    %max3A_17 = vector.broadcast %max3A : f32 to vector<512x256xf32>
    %max3A_18 = arith.maximumf %add3A_16, %max3A_17 : vector<512x256xf32>
    %add3A_19 = arith.addf %broadcast_in_dim3A_0, %max3A_18 : vector<512x256xf32>
    %get3A_20 = arith.constant 1 : index
    %get3A_21 = arith.constant 0 : index
    %get3A_22 = arith.constant 0 : index
    %get3A_23 = vector.load %arg1[%get3A_20, %get3A_21, %get3A_22] : memref<4x512x128xf32, #tpu.memory_space<vmem>>, vector<1x512x128xf32>
    %get3A_24 = vector.shape_cast %get3A_23 : vector<1x512x128xf32> to vector<512x128xf32>
    %get3A_25 = arith.constant 1 : index
    %get3A_26 = arith.constant 0 : index
    %get3A_27 = arith.constant 0 : index
    %get3A_28 = vector.load %arg2[%get3A_25, %get3A_26, %get3A_27] : memref<4x128x256xf32, #tpu.memory_space<vmem>>, vector<1x128x256xf32>
    %get3A_29 = vector.shape_cast %get3A_28 : vector<1x128x256xf32> to vector<128x256xf32>
    %dot_general3A_30 = arith.constant dense<0.000000e+00> : vector<512x256xf32>
    %dot_general3A_31 = tpu.matmul %get3A_24, %get3A_29, %dot_general3A_30 {dimension_numbers = #tpu.dot_dimension_numbers<[1], [0], [0], [1], [0, 0, 1, 1], [], []>, transpose_lhs_hint = false} : vector<512x128xf32>, vector<128x256xf32>, vector<512x256xf32> -> vector<512x256xf32>
    %get3A_32 = arith.constant 1 : index
    %get3A_33 = arith.constant 0 : index
    %get3A_34 = arith.constant 0 : index
    %get3A_35 = vector.load %arg3[%get3A_32, %get3A_33, %get3A_34] : memref<4x1x256xf32, #tpu.memory_space<vmem>>, vector<1x1x256xf32>
    %get3A_36 = vector.shape_cast %get3A_35 : vector<1x1x256xf32> to vector<1x256xf32>
    %add3A_37 = vector.broadcast %get3A_36 : vector<1x256xf32> to vector<512x256xf32>
    %add3A_38 = arith.addf %dot_general3A_31, %add3A_37 : vector<512x256xf32>
    %max3A_39 = arith.constant 0.000000e+00 : f32
    %max3A_40 = vector.broadcast %max3A_39 : f32 to vector<512x256xf32>
    %max3A_41 = arith.maximumf %add3A_38, %max3A_40 : vector<512x256xf32>
    %add3A_42 = arith.addf %add3A_19, %max3A_41 : vector<512x256xf32>
    %get3A_43 = arith.constant 2 : index
    %get3A_44 = arith.constant 0 : index
    %get3A_45 = arith.constant 0 : index
    %get3A_46 = vector.load %arg1[%get3A_43, %get3A_44, %get3A_45] : memref<4x512x128xf32, #tpu.memory_space<vmem>>, vector<1x512x128xf32>
    %get3A_47 = vector.shape_cast %get3A_46 : vector<1x512x128xf32> to vector<512x128xf32>
    %get3A_48 = arith.constant 2 : index
    %get3A_49 = arith.constant 0 : index
    %get3A_50 = arith.constant 0 : index
    %get3A_51 = vector.load %arg2[%get3A_48, %get3A_49, %get3A_50] : memref<4x128x256xf32, #tpu.memory_space<vmem>>, vector<1x128x256xf32>
    %get3A_52 = vector.shape_cast %get3A_51 : vector<1x128x256xf32> to vector<128x256xf32>
    %dot_general3A_53 = arith.constant dense<0.000000e+00> : vector<512x256xf32>
    %dot_general3A_54 = tpu.matmul %get3A_47, %get3A_52, %dot_general3A_53 {dimension_numbers = #tpu.dot_dimension_numbers<[1], [0], [0], [1], [0, 0, 1, 1], [], []>, transpose_lhs_hint = false} : vector<512x128xf32>, vector<128x256xf32>, vector<512x256xf32> -> vector<512x256xf32>
    %get3A_55 = arith.constant 2 : index
    %get3A_56 = arith.constant 0 : index
    %get3A_57 = arith.constant 0 : index
    %get3A_58 = vector.load %arg3[%get3A_55, %get3A_56, %get3A_57] : memref<4x1x256xf32, #tpu.memory_space<vmem>>, vector<1x1x256xf32>
    %get3A_59 = vector.shape_cast %get3A_58 : vector<1x1x256xf32> to vector<1x256xf32>
    %add3A_60 = vector.broadcast %get3A_59 : vector<1x256xf32> to vector<512x256xf32>
    %add3A_61 = arith.addf %dot_general3A_54, %add3A_60 : vector<512x256xf32>
    %max3A_62 = arith.constant 0.000000e+00 : f32
    %max3A_63 = vector.broadcast %max3A_62 : f32 to vector<512x256xf32>
    %max3A_64 = arith.maximumf %add3A_61, %max3A_63 : vector<512x256xf32>
    %add3A_65 = arith.addf %add3A_42, %max3A_64 : vector<512x256xf32>
    %get3A_66 = arith.constant 3 : index
    %get3A_67 = arith.constant 0 : index
    %get3A_68 = arith.constant 0 : index
    %get3A_69 = vector.load %arg1[%get3A_66, %get3A_67, %get3A_68] : memref<4x512x128xf32, #tpu.memory_space<vmem>>, vector<1x512x128xf32>
    %get3A_70 = vector.shape_cast %get3A_69 : vector<1x512x128xf32> to vector<512x128xf32>
    %get3A_71 = arith.constant 3 : index
    %get3A_72 = arith.constant 0 : index
    %get3A_73 = arith.constant 0 : index
    %get3A_74 = vector.load %arg2[%get3A_71, %get3A_72, %get3A_73] : memref<4x128x256xf32, #tpu.memory_space<vmem>>, vector<1x128x256xf32>
    %get3A_75 = vector.shape_cast %get3A_74 : vector<1x128x256xf32> to vector<128x256xf32>
    %dot_general3A_76 = arith.constant dense<0.000000e+00> : vector<512x256xf32>
    %dot_general3A_77 = tpu.matmul %get3A_70, %get3A_75, %dot_general3A_76 {dimension_numbers = #tpu.dot_dimension_numbers<[1], [0], [0], [1], [0, 0, 1, 1], [], []>, transpose_lhs_hint = false} : vector<512x128xf32>, vector<128x256xf32>, vector<512x256xf32> -> vector<512x256xf32>
    %get3A_78 = arith.constant 3 : index
    %get3A_79 = arith.constant 0 : index
    %get3A_80 = arith.constant 0 : index
    %get3A_81 = vector.load %arg3[%get3A_78, %get3A_79, %get3A_80] : memref<4x1x256xf32, #tpu.memory_space<vmem>>, vector<1x1x256xf32>
    %get3A_82 = vector.shape_cast %get3A_81 : vector<1x1x256xf32> to vector<1x256xf32>
    %add3A_83 = vector.broadcast %get3A_82 : vector<1x256xf32> to vector<512x256xf32>
    %add3A_84 = arith.addf %dot_general3A_77, %add3A_83 : vector<512x256xf32>
    %max3A_85 = arith.constant 0.000000e+00 : f32
    %max3A_86 = vector.broadcast %max3A_85 : f32 to vector<512x256xf32>
    %max3A_87 = arith.maximumf %add3A_84, %max3A_86 : vector<512x256xf32>
    %add3A_88 = arith.addf %add3A_65, %max3A_87 : vector<512x256xf32>
    %get3A_89 = arith.constant 0 : index
    %get3A_90 = arith.constant 0 : index
    %get3A_91 = vector.load %arg4[%get3A_89, %get3A_90] : memref<256x128xf32, #tpu.memory_space<vmem>>, vector<256x128xf32>
    %dot_general3A_92 = arith.constant dense<0.000000e+00> : vector<512x128xf32>
    %dot_general3A_93 = tpu.matmul %add3A_88, %get3A_91, %dot_general3A_92 {dimension_numbers = #tpu.dot_dimension_numbers<[1], [0], [0], [1], [0, 0, 1, 1], [], []>, transpose_lhs_hint = false} : vector<512x256xf32>, vector<256x128xf32>, vector<512x128xf32> -> vector<512x128xf32>
    %get3A_94 = arith.constant 0 : index
    %get3A_95 = arith.constant 0 : index
    %get3A_96 = vector.load %arg5[%get3A_94, %get3A_95] : memref<1x128xf32, #tpu.memory_space<vmem>>, vector<1x128xf32>
    %add3A_97 = vector.broadcast %get3A_96 : vector<1x128xf32> to vector<512x128xf32>
    %add3A_98 = arith.addf %dot_general3A_93, %add3A_97 : vector<512x128xf32>
    %swap3A = arith.constant 0 : index
    %swap3A_99 = arith.constant 0 : index
    %swap3A_100 = vector.load %arg6[%swap3A, %swap3A_99] : memref<512x128xf32, #tpu.memory_space<vmem>>, vector<512x128xf32>
    tpu.vector_store %arg6[%swap3A, %swap3A_99], %add3A_98 {strides = array<i32>} : memref<512x128xf32, #tpu.memory_space<vmem>>, vector<512x128xf32>,
    return
  }
  func.func @transform_0(%arg0: i32) -> (i32, i32, i32) {
    %c0_i32 = arith.constant 0 : i32
    %c0_i32_0 = arith.constant 0 : i32
    %c0_i32_1 = arith.constant 0 : i32
    return %c0_i32, %arg0, %c0_i32_0 : i32, i32, i32
  }
  func.func @transform_1(%arg0: i32) -> (i32, i32, i32) {
    %c0_i32 = arith.constant 0 : i32
    %c0_i32_0 = arith.constant 0 : i32
    %c0_i32_1 = arith.constant 0 : i32
    %c0_i32_2 = arith.constant 0 : i32
    return %c0_i32, %c0_i32_0, %c0_i32_1 : i32, i32, i32
  }
  func.func @transform_2(%arg0: i32) -> (i32, i32, i32) {
    %c0_i32 = arith.constant 0 : i32
    %c0_i32_0 = arith.constant 0 : i32
    %c0_i32_1 = arith.constant 0 : i32
    %c0_i32_2 = arith.constant 0 : i32
    return %c0_i32, %c0_i32_0, %c0_i32_1 : i32, i32, i32
  }
  func.func @transform_3(%arg0: i32) -> (i32, i32) {
    %c0_i32 = arith.constant 0 : i32
    %c0_i32_0 = arith.constant 0 : i32
    %c0_i32_1 = arith.constant 0 : i32
    return %c0_i32, %c0_i32_0 : i32, i32
  }
  func.func @transform_4(%arg0: i32) -> (i32, i32) {
    %c0_i32 = arith.constant 0 : i32
    %c0_i32_0 = arith.constant 0 : i32
    %c0_i32_1 = arith.constant 0 : i32
    return %c0_i32, %c0_i32_0 : i32, i32
  }
  func.func @transform_5(%arg0: i32) -> (i32, i32) {
    %c0_i32 = arith.constant 0 : i32
    %c0_i32_0 = arith.constant 0 : i32
    return %arg0, %c0_i32 : i32, i32
  }
}

</mosaic_0001>

<sc_bundles>
// kernel: kernel.4.cloned.1.call-start
scs
__scs_entry_jumppad:
0x0: {  	(pc) =	sbr.rel $0x88, $3  }
0x1: {  	(tag) =	ssettag $0x0;
	lr =	simm.s32 $0x1  }
0x2: {  	[smem:$0x3F95] =	sst lr;
	_ =	strace $0xD0000000  }
0x3: {  	_ = 	snop  }
0x4: {  	_ = 	snop  }
0x5: {  	_ = 	snop  }
0x6: {  	_ = 	snop  }
0x7: {  	_ = 	snop  }
__scs_overlays_trampoline_lowered:
0x8: {  	[smem:$0x3FA4] =	sst s0  }
0x9: {  	[smem:$0x3FA5] =	sst s1  }
0xa: {  	[smem:$0x3FA6] =	sst s2  }
0xb: {  	[smem:$0x3FA7] =	sst s3  }
0xc: {  	[smem:$0x3FA8] =	sst s4  }
0xd: {  	[smem:$0x3FA9] =	sst s5  }
0xe: {  	[smem:$0x3FAA] =	sst s6  }
0xf: {  	[smem:$0x3FAB] =	sst s7  }
0x10: {  	[smem:$0x3FAC] =	sst s8  }
0x11: {  	[smem:$0x3FAD] =	sst s9;
	s0 =	simm.s32 @!p0 $0x0  }
0x12: {  	s1 =	sld [smem:$0x3F93];
	s0 =	simm.s32 @p0 $0x1  }
0x13: {  	[smem:$0x3FAE] =	sst s0;
	s0 =	simm.s32 @!p1 $0x0  }
0x14: {  	s2 =	sld [smem:$0x3F92];
	s0 =	simm.s32 @p1 $0x1  }
0x15: {  	[smem:$0x3FAF] =	sst s0;
	s0 =	simm.s32 @!p2 $0x0  }
0x16: {  	s3 =	sld [smem:$0x3FDB];
	s0 =	simm.s32 @p2 $0x1  }
0x17: {  	s4 =	simm.s32 $0x1BF5;
	[smem:$0x3FB1] =	sst s0  }
0x18: {  	s0 =	sld [smem:$0x3F94];
	_ =	swait.ge [sflag:s4], $0x0  }
0x19: {  	s7 =	sld [smem:$0x3F95]  }
0x1a: {  	s8 =	sadd.s32 $0xFFFFE003, lr  }
0x1b: {  	s9 =	sadd.s32 $0xFFFFFEF7, lr;
	s5 =	simm.s32 $0xFFFFFFFF;
	p2 =	slt.u32 s8, $0xFFFFF086  }
0x1c: {  	p1 =	slt.u32 s9, $0xF7A;
	s5 =	simm.s32 @!p2 $0x0  }
0x1d: {  	s5 =	simm.s32 @p1 $0x1;
	p0 =	seq.s32 s7, s2  }
0x1e: {  	s7 =	smul.u32 @!p0 $0xF7A, s2;
	p2 =	seq.s32 @!p0 s5, $0x0  }
0x1f: {  	s9 =	smul.u32 $0xF7A, s1;
	s8 =	simm.s32 @!p0 $0x1BF5;
	p2 =	por !p2, p0  }
0x20: {  	[sflag:s8] =	ssyncset.s32 @!p0 $0xFFFFF086;
	s6 =	sadd.s32 @!p0 s3, s7;
	s7 =	simm.s32 @!p0 $0x108  }
0x21: {  	s3 =	sadd.s32 s3, s9;
	s6 =	sadd.s32 @!p0 $0x88, s6;
	s7 =	simm.s32 @p2 $0x1082  }
0x22: {  	[simem:s7], [sflag:s8] =	dma.local @!p0 [hbm:s6], $0xF7A  }
0x23: {  	s9 =	sor.u32 $0xD0000000, s2;
	s6 =	simm.s32 $0x108;
	_ =	swait.ge @!p0 [sflag:s8], $0x0  }
0x24: {  	s3 =	sadd.s32 $0x88, s3;
	s6 =	simm.s32 @!p1 $0x1082;
	[sflag:s4] =	ssyncset.s32 $0xFFFFF086  }
0x25: {  	[simem:s6], [sflag:s4] =	dma.local [hbm:s3], $0xF7A  }
0x26: {  	[smem:$0x3F95] =	sst s1;
	(tag) =	ssettag s2;
	_ =	strace s9  }
0x27: {  	s1 =	sld [smem:$0x3FA5]  }
0x28: {  	s2 =	sld [smem:$0x3FA6]  }
0x29: {  	s4 =	sld [smem:$0x3FA8]  }
0x2a: {  	p0 =	seq.s32 s5, $0x0;
	s5 =	sld [smem:$0x3FA9]  }
0x2b: {  	s6 =	sld [smem:$0x3FAA]  }
0x2c: {  	s7 =	sld [smem:$0x3FAB]  }
0x2d: {  	s3 =	simm.s32 $0x108;
	s8 =	sld [smem:$0x3FAC]  }
0x2e: {  	s3 =	simm.s32 @!p0 $0x1082;
	s9 =	sld [smem:$0x3FAD]  }
0x2f: {  	lr =	sadd.s32 s0, s3;
	s0 =	sld [smem:$0x3FA4]  }
0x30: {  	s3 =	sld [smem:$0x3FA7]  }
0x31: {  	[smem:$0x3FB0] =	sst s10  }
0x32: {  	s10 =	sld [smem:$0x3FAE];
	_ =	sdelay $0x3  }
0x33: {  	p0 =	seq.s32 s10, $0x1;
	s10 =	sld [smem:$0x3FB0];
	_ =	sdelay $0x3  }
0x34: {  	[smem:$0x3FB0] =	sst s10  }
0x35: {  	s10 =	sld [smem:$0x3FAF];
	_ =	sdelay $0x3  }
0x36: {  	p1 =	seq.s32 s10, $0x1;
	s10 =	sld [smem:$0x3FB0];
	_ =	sdelay $0x3  }
0x37: {  	[smem:$0x3FB0] =	sst s10  }
0x38: {  	s10 =	sld [smem:$0x3FB1]  }
0x39: {  	_ = 	snop;
	(pc) =	sbr.ind lr, $3  }
0x3a: {  	_ = 	snop  }
0x3b: {  	_ = 	snop  }
0x3c: {  	p2 =	seq.s32 s10, $0x1;
	s10 =	sld [smem:$0x3FB0]  }
0x3d: {  	_ =	shalt  }
0x3e: {  	_ =	shalt  }
0x3f: {  	_ =	shalt  }
0x40: {  	_ =	shalt  }
0x41: {  	_ =	shalt  }
0x42: {  	_ =	shalt  }
0x43: {  	_ =	shalt  }
0x44: {  	_ =	shalt  }
0x45: {  	_ =	shalt  }
0x46: {  	_ =	shalt  }
0x47: {  	_ =	shalt  }
0x48: {  	_ =	shalt  }
0x49: {  	_ =	shalt  }
0x4a: {  	_ =	shalt  }
0x4b: {  	_ =	shalt  }
0x4c: {  	_ =	shalt  }
0x4d: {  	_ =	shalt  }
0x4e: {  	_ =	shalt  }
0x4f: {  	_ =	shalt  }
0x50: {  	_ =	shalt  }
0x51: {  	_ =	shalt  }
0x52: {  	_ =	shalt  }
0x53: {  	_ =	shalt  }
0x54: {  	_ =	shalt  }
0x55: {  	_ =	shalt  }
0x56: {  	_ =	shalt  }
0x57: {  	_ =	shalt  }
0x58: {  	_ =	shalt  }
0x59: {  	_ =	shalt  }
0x5a: {  	_ =	shalt  }
0x5b: {  	_ =	shalt  }
0x5c: {  	_ =	shalt  }
0x5d: {  	_ =	shalt  }
0x5e: {  	_ =	shalt  }
0x5f: {  	_ =	shalt  }
0x60: {  	_ =	shalt  }
0x61: {  	_ =	shalt  }
0x62: {  	_ =	shalt  }
0x63: {  	_ =	shalt  }
0x64: {  	_ =	shalt  }
0x65: {  	_ =	shalt  }
0x66: {  	_ =	shalt  }
0x67: {  	_ =	shalt  }
0x68: {  	_ =	shalt  }
0x69: {  	_ =	shalt  }
0x6a: {  	_ =	shalt  }
0x6b: {  	_ =	shalt  }
0x6c: {  	_ =	shalt  }
0x6d: {  	_ =	shalt  }
0x6e: {  	_ =	shalt  }
0x6f: {  	_ =	shalt  }
0x70: {  	_ =	shalt  }
0x71: {  	_ =	shalt  }
0x72: {  	_ =	shalt  }
0x73: {  	_ =	shalt  }
0x74: {  	_ =	shalt  }
0x75: {  	_ =	shalt  }
0x76: {  	_ =	shalt  }
0x77: {  	_ =	shalt  }
0x78: {  	_ =	shalt  }
0x79: {  	_ =	shalt  }
0x7a: {  	_ =	shalt  }
0x7b: {  	_ =	shalt  }
0x7c: {  	_ =	shalt  }
0x7d: {  	_ =	shalt  }
0x7e: {  	_ =	shalt  }
0x7f: {  	_ =	shalt  }
0x80: {  	_ =	shalt  }
0x81: {  	_ =	shalt  }
0x82: {  	_ =	shalt  }
0x83: {  	_ =	shalt  }
0x84: {  	_ =	shalt  }
0x85: {  	_ =	shalt  }
0x86: {  	_ =	shalt  }
0x87: {  	_ =	shalt  }
.Lfunc_end0:
.L_simem_size_0:
called_computation_lowered:
.L_overlay_start_0:
0x88: {  	s2 =	sld [smem:$0x3FD9]  }
0x89: {  	s3 =	sld [smem:$0x3FFE];
	_ =	sdelay $0x1  }
0x8a: {  	s1 =	srdreg.scid  }
0x8b: {  	s0 =	sand.u32 $0x1, s1  }
0x8c: {  	s17 =	sshll.u32 s0, $0xA;
	s2 =	sadd.s32 s3, s2  }
0x8d: {  	s2 =	sadd.s32 s2, s17  }
0x8e: {  	[smem:$0x3FBC] =	sst s2  }
0x8f: {  	_ = 	snop  }
0x90: {  	s2 =	sld [smem:$0x3FD0];
	(tm) =	ssettm $0x1  }
0x91: {  	s18 =	sld [smem:$0x3FFB];
	_ =	sdelay $0x3  }
0x92: {  	_ =	strace s18  }
0x93: {  	s3 =	sld [smem:$0x3FFC];
	_ =	sdelay $0x3  }
0x94: {  	_ =	strace s3  }
0x95: {  	s3 =	sld [smem:$0x3FFD];
	_ =	sdelay $0x3  }
0x96: {  	_ =	strace s3  }
0x97: {  	_ =	strace $0x8FFFFFFF  }
0x98: {  	s19 =	sld [smem:$0x3FDB];
	_ =	sdelay $0x1  }
0x99: {  	s4 =	simm.s32 $_scs_section_size  }
0x9a: {  	s5 =	simm.s32 $_size__tile_overlayer_lowered;
	s6 =	simm.s32 $_tile_overlayer_lowered  }
0x9b: {  	s22 =	simm.s32 $0x1BFF;
	s21 =	sshll.u32 s6, $0x1;
	s3 =	sadd.s32 s4, s19  }
0x9c: {  	s7 =	simm.s32 $0x0;
	s20 =	sshll.u32 s5, $0x1;
	s5 =	sadd.s32 s21, s3  }
0x9d: {  	[timem:s7], [sflag:s22] =	dma.local [hbm:s5], s20  }
0x9e: {  	_ =	swait.ge [sflag:s22], s20  }
0x9f: {  	s4 =	ssub.s32 $0x0, s20;
	[sflag:s22] =	ssyncset.done $0x0  }
0xa0: {  	[sflag:s22] =	ssyncadd.s32 s4;
	_ =	sdelay $0x1  }
0xa1: {  	s23 =	simm.s32 $0x1B8B  }
0xa2: {  	_ =	swait.ge [sflag:s23], $0x1  }
0xa3: {  	[sflag:s23] =	ssyncset.done $0x0  }
0xa4: {  	s25 =	simm.s32 $0x1B8E;
	s24 =	sld [smem:$0x3FFE];
	[sflag:s23] =	ssyncadd.s32 $0xFFFFFFFF  }
0xa5: {  	s26 =	simm.s32 $execute0_lowered;
	[smem:$0x3FD2] =	sst s25  }
0xa6: {  	s5 =	sshll.u32 s26, $0x1;
	_ =	strace $0x80000046;
	[dreg:$0x1] =	wrdreg $0xFFFFFFFF  }
0xa7: {  	s28 =	simm.s32 $_size_execute0_lowered;
	s3 =	sadd.s32 s3, s5;
	[dreg:$0x0] =	wrdreg $0x0  }
0xa8: {  	s5 =	sshll.u32 s28, $0x1;
	[dreg:$0x2] =	wrdreg s3  }
0xa9: {  	[dreg:$0x3] =	wrdreg s5  }
0xaa: {  	[dreg:$0x4] =	wrdreg $0xC0  }
0xab: {  	_ =	task [dreg:s7], $0x5FFFF  }
0xac: {  	[dreg:$0x1] =	wrdreg $0xFFFFFFFF  }
0xad: {  	[dreg:$0x0] =	wrdreg $0x60  }
0xae: {  	[dreg:$0x2] =	wrdreg s2  }
0xaf: {  	[dreg:$0x3] =	wrdreg s24  }
0xb0: {  	[dreg:$0x4] =	wrdreg $0x9  }
0xb1: {  	_ =	task.clear_ibuf [dreg:s7], $0x5FFFF;
	_ =	strace $0x90000046  }
0xb2: {  	s29 =	simm.s32 $0x9;
	_ =	strace $0x80000048  }
0xb3: {  	_ =	swait.ge [sflag:s29], $0x1  }
0xb4: {  	[sflag:s29] =	ssyncadd.s32 $0xFFFFFFFF  }
0xb5: {  	_ =	strace $0x90000048  }
0xb6: {  	_ =	sfence  }
0xb7: {  	s30 =	sld [smem:$0x0];
	_ =	sdelay $0x2  }
0xb8: {  	s31 =	sshll.u32 s1, $0xD;
	s1 =	sshrl.u32 s1, $0x2  }
0xb9: {  	s3 =	sand.u32 $0x4000, s31;
	s1 =	sadd.s32 s1, s30  }
0xba: {  	s0 =	sor.u32 s3, s0;
	s1 =	sshll.u32 s1, $0x11  }
0xbb: {  	s0 =	sor.u32 s1, s0  }
0xbc: {  	s0 =	sadd.s32 $0x8F2B, s0  }
0xbd: {  	[sflag:s0] =	ssyncadd.remote.s32 $0x1  }
0xbe: {  	_ =	sfence.sel $0xFFFF  }
0xbf: {  	[dreg:$0x0] =	wrdreg $0xFFFFFFFF;
	(pc) =	sbr.abs _section_cstart, $3  }
0xc0: {  	[dreg:$0x1] =	wrdreg $0xFFFFFFFF  }
0xc1: {  	_ =	task.clear_ibuf [dreg:s7], $0x2FFFF;
	_ =	strace $0x9FFFFFFF  }
0xc2: {  	(tm) =	ssettm $0x7FFFFFFF  }
0xc3: {  	_ =	shalt  }
tec
execute0_lowered:
.L_overlay_start_1:
0x0: {  	(tag) =	ssettag $0x1  }
0x1: {  	s1 =	srdreg.scid  }
0x2: {  	s3 =	rddreg [dreg:$0x0];
	s0 =	stileid.u32  }
0x3: {  	s4 =	rddreg [dreg:$0x1];
	s2 =	simm.s32 $0x0;
	s20 =	simm.s32 $0x1000  }
0x4: {  	s21 =	simm.s32 $0x100;
	s23 =	simm.s32 $0x1800;
	s24 =	simm.s32 $0x180  }
0x5: {  	s25 =	simm.s32 $0x2000;
	s26 =	simm.s32 $0x200;
	s7 =	simm.s32 $0x80  }
0x6: {  	s11 =	simm.s32 $0x300;
	s12 =	simm.s32 $0x3800;
	s13 =	simm.s32 $0x380  }
0x7: {  	s14 =	simm.s32 $0x4000;
	s15 =	simm.s32 $0x400;
	s16 =	simm.s32 $0x4800  }
0x8: {  	s17 =	simm.s32 $0x480;
	s18 =	simm.s32 $0x5000;
	[smem:$0x7FF] =	sst s2  }
0x9: {  	p0 =	por $0x0, $0x0;
	_ =	strace $0x80000047;
	[dreg:$0x5] =	wrdreg s20  }
0xa: {  	s28 =	simm.s32 $0x700;
	s29 =	simm.s32 $0x7800;
	[dreg:$0x6] =	wrdreg s21  }
0xb: {  	s30 =	simm.s32 $0x780;
	s31 =	simm.s32 $0x8000;
	[dreg:$0x7] =	wrdreg s23  }
0xc: {  	s1 =	sand.u32 $0x1, s1;
	s5 =	sshll.u32 s0, $0xC;
	[dreg:$0x8] =	wrdreg s24  }
0xd: {  	s6 =	sshll.u32 s1, $0xB;
	s1 =	ssub.s32 $0x2, s1;
	[dreg:$0x9] =	wrdreg s25  }
0xe: {  	[dreg:$0xa] =	wrdreg s26;
	s20 =	simm.s32 $0x5800;
	s22 =	sshrl.u32 s1, $0x1  }
0xf: {  	s21 =	simm.s32 $0x580;
	s23 =	simm.s32 $0x600;
	s1 =	ssub.s32 s1, s22  }
0x10: {  	s24 =	simm.s32 $0x6800;
	s25 =	simm.s32 $0x680;
	s1 =	smax.u32 s1, $0x1  }
0x11: {  	s26 =	simm.s32 $0x7000;
	s5 =	sor.u32 s6, s5;
	p1 =	sne.s32 s1, $0x1  }
.Ltmp0:
0x12: {  	s6 =	sshll.u32 s5, $0x1;
	s5 =	sshrl.u32 s5, $0x3;
	(pc) =	sbr.rel @!p1 .LBB2_3-.Ltmp0, $4  }
0x13: {  	s22 =	simm.s32 $0x6000;
	s6 =	sadd.s32 s6, s4;
	s3 =	sadd.s32 s3, s5  }
0x14: {  	s5 =	simm.s32 $0x1;
	[dreg:$0x3] =	wrdreg s3;
	s19 =	sadd.s32 $0x1E00, s6  }
0x15: {  	s6 =	sadd.s32 $0xF44200, s4;
	s3 =	simm.s32 $0x2;
	s4 =	simm.s32 $0x800  }
0x16: {  	s8 =	sadd.s32 $0xFFFFFFFF, s1;
	[dreg:$0x4] =	wrdreg s19;
	s19 =	simm.s32 $0x500  }
0x17: {  	s0 =	rddreg [dreg:$0x3]  }
0x18: {  	[tilespmem:s2], [sflag:$0x2] =	stream.linear.gather [hbm4b:s0+s2], $0x800, $0x38;
	[tilespmem:$0x8800] =	vst v63  }
0x19: {  	_ =	swait.ge [sflag:s3], $0x800  }
0x1a: {  	s10 =	rddreg [dreg:$0x6]  }
0x1b: {  	s1 =	rddreg [dreg:$0x5]  }
0x1c: {  	s0 =	rddreg [dreg:$0x7]  }
0x1d: {  	[sflag:s3] =	ssyncset.done $0x0;
	[dreg:$0xb] =	wrdreg s10  }
0x1e: {  	[sflag:s3] =	ssyncadd.s32 $0xFFFFF800;
	s10 =	rddreg [dreg:$0x9]  }
0x1f: {  	[tilespmem:s4], [sflag:$0x1] =	stream.indirect.gather [hbm4b:s6+s7], $0x10, s2, s7, $0xb8;
	[tilespmem:$0x8800] =	vst v63  }
0x20: {  	[dreg:$0xc] =	wrdreg s10  }
0x21: {  	s10 =	rddreg [dreg:$0xb]  }
0x22: {  	[tilespmem:s1], [sflag:$0x1] =	stream.indirect.gather [hbm4b:s6+s7], $0x10, s7, s7, $0xb8;
	[tilespmem:$0x8800] =	vst v63  }
0x23: {  	s1 =	rddreg [dreg:$0x8]  }
0x24: {  	[tilespmem:s0], [sflag:$0x1] =	stream.indirect.gather [hbm4b:s6+s7], $0x10, s10, s7, $0xb8;
	[tilespmem:$0x8800] =	vst v63  }
0x25: {  	s10 =	rddreg [dreg:$0xc]  }
0x26: {  	[tilespmem:s10], [sflag:$0x1] =	stream.indirect.gather [hbm4b:s6+s7], $0x10, s1, s7, $0xb8;
	[tilespmem:$0x8800] =	vst v63  }
0x27: {  	s9 =	simm.s32 $0x2800;
	s0 =	rddreg [dreg:$0xa]  }
0x28: {  	[tilespmem:s9], [sflag:$0x1] =	stream.indirect.gather [hbm4b:s6+s7], $0x10, s0, s7, $0xb8;
	[tilespmem:$0x8800] =	vst v63  }
0x29: {  	s1 =	simm.s32 $0x280;
	s9 =	simm.s32 $0x3000  }
0x2a: {  	[tilespmem:s9], [sflag:$0x1] =	stream.indirect.gather [hbm4b:s6+s7], $0x10, s1, s7, $0xb8;
	[tilespmem:$0x8800] =	vst v63  }
0x2b: {  	_ = 	snop  }
0x2c: {  	[tilespmem:s12], [sflag:$0x1] =	stream.indirect.gather [hbm4b:s6+s7], $0x10, s11, s7, $0xb8;
	[tilespmem:$0x8800] =	vst v63  }
0x2d: {  	_ = 	snop  }
0x2e: {  	[tilespmem:s14], [sflag:$0x1] =	stream.indirect.gather [hbm4b:s6+s7], $0x10, s13, s7, $0xb8;
	[tilespmem:$0x8800] =	vst v63  }
0x2f: {  	_ = 	snop  }
0x30: {  	[tilespmem:s16], [sflag:$0x1] =	stream.indirect.gather [hbm4b:s6+s7], $0x10, s15, s7, $0xb8;
	[tilespmem:$0x8800] =	vst v63  }
0x31: {  	_ = 	snop  }
0x32: {  	[tilespmem:s18], [sflag:$0x1] =	stream.indirect.gather [hbm4b:s6+s7], $0x10, s17, s7, $0xb8;
	[tilespmem:$0x8800] =	vst v63  }
0x33: {  	_ = 	snop  }
0x34: {  	[tilespmem:s20], [sflag:$0x1] =	stream.indirect.gather [hbm4b:s6+s7], $0x10, s19, s7, $0xb8;
	[tilespmem:$0x8800] =	vst v63  }
0x35: {  	_ = 	snop  }
0x36: {  	[tilespmem:s22], [sflag:$0x1] =	stream.indirect.gather [hbm4b:s6+s7], $0x10, s21, s7, $0xb8;
	[tilespmem:$0x8800] =	vst v63  }
0x37: {  	_ = 	snop  }
0x38: {  	[tilespmem:s24], [sflag:$0x1] =	stream.indirect.gather [hbm4b:s6+s7], $0x10, s23, s7, $0xb8;
	[tilespmem:$0x8800] =	vst v63  }
0x39: {  	_ = 	snop  }
0x3a: {  	[tilespmem:s26], [sflag:$0x1] =	stream.indirect.gather [hbm4b:s6+s7], $0x10, s25, s7, $0xb8;
	[tilespmem:$0x8800] =	vst v63  }
0x3b: {  	_ = 	snop  }
0x3c: {  	[tilespmem:s29], [sflag:$0x1] =	stream.indirect.gather [hbm4b:s6+s7], $0x10, s28, s7, $0xb8;
	[tilespmem:$0x8800] =	vst v63  }
0x3d: {  	_ = 	snop  }
0x3e: {  	[tilespmem:s31], [sflag:$0x1] =	stream.indirect.gather [hbm4b:s6+s7], $0x10, s30, s7, $0xb8;
	[tilespmem:$0x8800] =	vst v63  }
0x3f: {  	_ =	swait.ge [sflag:s5], $0x800  }
0x40: {  	[sflag:s5] =	ssyncset.done $0x0  }
0x41: {  	[sflag:s5] =	ssyncadd.s32 $0xFFFFF800  }
0x42: {  	_ =	swait.ge [sflag:s5], $0x800  }
0x43: {  	[sflag:s5] =	ssyncset.done $0x0  }
0x44: {  	[sflag:s5] =	ssyncadd.s32 $0xFFFFF800  }
0x45: {  	_ =	swait.ge [sflag:s5], $0x800  }
0x46: {  	[sflag:s5] =	ssyncset.done $0x0  }
0x47: {  	[sflag:s5] =	ssyncadd.s32 $0xFFFFF800  }
0x48: {  	_ =	swait.ge [sflag:s5], $0x800  }
0x49: {  	[sflag:s5] =	ssyncset.done $0x0  }
0x4a: {  	[sflag:s5] =	ssyncadd.s32 $0xFFFFF800  }
0x4b: {  	_ =	swait.ge [sflag:s5], $0x800  }
0x4c: {  	[sflag:s5] =	ssyncset.done $0x0  }
0x4d: {  	[sflag:s5] =	ssyncadd.s32 $0xFFFFF800  }
0x4e: {  	_ =	swait.ge [sflag:s5], $0x800  }
0x4f: {  	[sflag:s5] =	ssyncset.done $0x0  }
0x50: {  	[sflag:s5] =	ssyncadd.s32 $0xFFFFF800  }
0x51: {  	_ =	swait.ge [sflag:s5], $0x800  }
0x52: {  	[sflag:s5] =	ssyncset.done $0x0  }
0x53: {  	[sflag:s5] =	ssyncadd.s32 $0xFFFFF800  }
0x54: {  	_ =	swait.ge [sflag:s5], $0x800  }
0x55: {  	[sflag:s5] =	ssyncset.done $0x0  }
0x56: {  	[sflag:s5] =	ssyncadd.s32 $0xFFFFF800  }
0x57: {  	_ =	swait.ge [sflag:s5], $0x800  }
0x58: {  	[sflag:s5] =	ssyncset.done $0x0  }
0x59: {  	[sflag:s5] =	ssyncadd.s32 $0xFFFFF800  }
0x5a: {  	_ =	swait.ge [sflag:s5], $0x800  }
0x5b: {  	[sflag:s5] =	ssyncset.done $0x0  }
0x5c: {  	[sflag:s5] =	ssyncadd.s32 $0xFFFFF800  }
0x5d: {  	_ =	swait.ge [sflag:s5], $0x800  }
0x5e: {  	[sflag:s5] =	ssyncset.done $0x0  }
0x5f: {  	[sflag:s5] =	ssyncadd.s32 $0xFFFFF800  }
0x60: {  	_ =	swait.ge [sflag:s5], $0x800  }
0x61: {  	[sflag:s5] =	ssyncset.done $0x0  }
0x62: {  	[sflag:s5] =	ssyncadd.s32 $0xFFFFF800  }
0x63: {  	_ =	swait.ge [sflag:s5], $0x800  }
0x64: {  	[sflag:s5] =	ssyncset.done $0x0  }
0x65: {  	[sflag:s5] =	ssyncadd.s32 $0xFFFFF800  }
0x66: {  	_ =	swait.ge [sflag:s5], $0x800  }
0x67: {  	[sflag:s5] =	ssyncset.done $0x0  }
0x68: {  	[sflag:s5] =	ssyncadd.s32 $0xFFFFF800  }
0x69: {  	_ =	swait.ge [sflag:s5], $0x800  }
0x6a: {  	p1 =	sne.s32 s8, $0x1;
	[sflag:s5] =	ssyncset.done $0x0  }
.Ltmp1:
0x6b: {  	[sflag:s5] =	ssyncadd.s32 $0xFFFFF800;
	(pc) =	sbr.rel @!p1 .LBB2_3-.Ltmp1, $4  }
0x6c: {  	_ =	swait.ge [sflag:s5], $0x800  }
0x6d: {  	p0 =	por $0x1, $0x1;
	[sflag:s5] =	ssyncset.done $0x0  }
0x6e: {  	s1 =	sadd.s32 $0xFFFFFFFF, s8;
	s10 =	rddreg [dreg:$0x4];
	[sflag:s5] =	ssyncadd.s32 $0xFFFFF800  }
0x6f: {  	[hbm4b:s10+s2] =	stream.linear.scatter [tilespmem:s4], [sflag:$0x2], $0x8000, $0x38;
	[tilespmem:$0x8800] =	vst v63  }
.LBB2_2:
0x70: {  	_ =	swait.ge [sflag:s3], $0x8000  }
0x71: {  	[sflag:s3] =	ssyncset.done $0x0  }
0x72: {  	s0 =	rddreg [dreg:$0x3];
	[sflag:s3] =	ssyncadd.s32 $0xFFFF8000  }
0x73: {  	[tilespmem:s2], [sflag:$0x2] =	stream.linear.gather [hbm4b:s0+s2], $0x800, $0x38;
	[tilespmem:$0x8800] =	vst v63  }
0x74: {  	_ =	swait.ge [sflag:s3], $0x800  }
0x75: {  	s0 =	rddreg [dreg:$0x6];
	[sflag:s3] =	ssyncset.done $0x0  }
0x76: {  	s8 =	rddreg [dreg:$0x5];
	[sflag:s3] =	ssyncadd.s32 $0xFFFFF800  }
0x77: {  	[tilespmem:s4], [sflag:$0x1] =	stream.indirect.gather [hbm4b:s6+s7], $0x10, s2, s7, $0xb8;
	[tilespmem:$0x8800] =	vst v63  }
0x78: {  	s9 =	rddreg [dreg:$0x7]  }
0x79: {  	[tilespmem:s8], [sflag:$0x1] =	stream.indirect.gather [hbm4b:s6+s7], $0x10, s7, s7, $0xb8;
	[tilespmem:$0x8800] =	vst v63  }
0x7a: {  	s10 =	rddreg [dreg:$0x9]  }
0x7b: {  	[tilespmem:s9], [sflag:$0x1] =	stream.indirect.gather [hbm4b:s6+s7], $0x10, s0, s7, $0xb8;
	[tilespmem:$0x8800] =	vst v63  }
0x7c: {  	s8 =	rddreg [dreg:$0x8]  }
0x7d: {  	[tilespmem:s10], [sflag:$0x1] =	stream.indirect.gather [hbm4b:s6+s7], $0x10, s8, s7, $0xb8;
	[tilespmem:$0x8800] =	vst v63  }
0x7e: {  	s0 =	rddreg [dreg:$0xa];
	s8 =	simm.s32 $0x2800  }
0x7f: {  	[tilespmem:s8], [sflag:$0x1] =	stream.indirect.gather [hbm4b:s6+s7], $0x10, s0, s7, $0xb8;
	[tilespmem:$0x8800] =	vst v63  }
0x80: {  	s9 =	simm.s32 $0x280;
	s10 =	simm.s32 $0x3000  }
0x81: {  	[tilespmem:s10], [sflag:$0x1] =	stream.indirect.gather [hbm4b:s6+s7], $0x10, s9, s7, $0xb8;
	[tilespmem:$0x8800] =	vst v63  }
0x82: {  	_ = 	snop  }
0x83: {  	[tilespmem:s12], [sflag:$0x1] =	stream.indirect.gather [hbm4b:s6+s7], $0x10, s11, s7, $0xb8;
	[tilespmem:$0x8800] =	vst v63  }
0x84: {  	_ = 	snop  }
0x85: {  	[tilespmem:s14], [sflag:$0x1] =	stream.indirect.gather [hbm4b:s6+s7], $0x10, s13, s7, $0xb8;
	[tilespmem:$0x8800] =	vst v63  }
0x86: {  	_ = 	snop  }
0x87: {  	[tilespmem:s16], [sflag:$0x1] =	stream.indirect.gather [hbm4b:s6+s7], $0x10, s15, s7, $0xb8;
	[tilespmem:$0x8800] =	vst v63  }
0x88: {  	_ = 	snop  }
0x89: {  	[tilespmem:s18], [sflag:$0x1] =	stream.indirect.gather [hbm4b:s6+s7], $0x10, s17, s7, $0xb8;
	[tilespmem:$0x8800] =	vst v63  }
0x8a: {  	_ = 	snop  }
0x8b: {  	[tilespmem:s20], [sflag:$0x1] =	stream.indirect.gather [hbm4b:s6+s7], $0x10, s19, s7, $0xb8;
	[tilespmem:$0x8800] =	vst v63  }
0x8c: {  	_ = 	snop  }
0x8d: {  	[tilespmem:s22], [sflag:$0x1] =	stream.indirect.gather [hbm4b:s6+s7], $0x10, s21, s7, $0xb8;
	[tilespmem:$0x8800] =	vst v63  }
0x8e: {  	_ = 	snop  }
0x8f: {  	[tilespmem:s24], [sflag:$0x1] =	stream.indirect.gather [hbm4b:s6+s7], $0x10, s23, s7, $0xb8;
	[tilespmem:$0x8800] =	vst v63  }
0x90: {  	_ = 	snop  }
0x91: {  	[tilespmem:s26], [sflag:$0x1] =	stream.indirect.gather [hbm4b:s6+s7], $0x10, s25, s7, $0xb8;
	[tilespmem:$0x8800] =	vst v63  }
0x92: {  	_ = 	snop  }
0x93: {  	[tilespmem:s29], [sflag:$0x1] =	stream.indirect.gather [hbm4b:s6+s7], $0x10, s28, s7, $0xb8;
	[tilespmem:$0x8800] =	vst v63  }
0x94: {  	_ = 	snop  }
0x95: {  	[tilespmem:s31], [sflag:$0x1] =	stream.indirect.gather [hbm4b:s6+s7], $0x10, s30, s7, $0xb8;
	[tilespmem:$0x8800] =	vst v63  }
0x96: {  	_ =	swait.ge [sflag:s5], $0x800  }
0x97: {  	[sflag:s5] =	ssyncset.done $0x0  }
0x98: {  	[sflag:s5] =	ssyncadd.s32 $0xFFFFF800  }
0x99: {  	_ =	swait.ge [sflag:s5], $0x800  }
0x9a: {  	[sflag:s5] =	ssyncset.done $0x0  }
0x9b: {  	[sflag:s5] =	ssyncadd.s32 $0xFFFFF800  }
0x9c: {  	_ =	swait.ge [sflag:s5], $0x800  }
0x9d: {  	[sflag:s5] =	ssyncset.done $0x0  }
0x9e: {  	[sflag:s5] =	ssyncadd.s32 $0xFFFFF800  }
0x9f: {  	_ =	swait.ge [sflag:s5], $0x800  }
0xa0: {  	[sflag:s5] =	ssyncset.done $0x0  }
0xa1: {  	[sflag:s5] =	ssyncadd.s32 $0xFFFFF800  }
0xa2: {  	_ =	swait.ge [sflag:s5], $0x800  }
0xa3: {  	[sflag:s5] =	ssyncset.done $0x0  }
0xa4: {  	[sflag:s5] =	ssyncadd.s32 $0xFFFFF800  }
0xa5: {  	_ =	swait.ge [sflag:s5], $0x800  }
0xa6: {  	[sflag:s5] =	ssyncset.done $0x0  }
0xa7: {  	[sflag:s5] =	ssyncadd.s32 $0xFFFFF800  }
0xa8: {  	_ =	swait.ge [sflag:s5], $0x800  }
0xa9: {  	[sflag:s5] =	ssyncset.done $0x0  }
0xaa: {  	[sflag:s5] =	ssyncadd.s32 $0xFFFFF800  }
0xab: {  	_ =	swait.ge [sflag:s5], $0x800  }
0xac: {  	[sflag:s5] =	ssyncset.done $0x0  }
0xad: {  	[sflag:s5] =	ssyncadd.s32 $0xFFFFF800  }
0xae: {  	_ =	swait.ge [sflag:s5], $0x800  }
0xaf: {  	[sflag:s5] =	ssyncset.done $0x0  }
0xb0: {  	[sflag:s5] =	ssyncadd.s32 $0xFFFFF800  }
0xb1: {  	_ =	swait.ge [sflag:s5], $0x800  }
0xb2: {  	[sflag:s5] =	ssyncset.done $0x0  }
0xb3: {  	[sflag:s5] =	ssyncadd.s32 $0xFFFFF800  }
0xb4: {  	_ =	swait.ge [sflag:s5], $0x800  }
0xb5: {  	[sflag:s5] =	ssyncset.done $0x0  }
0xb6: {  	[sflag:s5] =	ssyncadd.s32 $0xFFFFF800  }
0xb7: {  	_ =	swait.ge [sflag:s5], $0x800  }
0xb8: {  	[sflag:s5] =	ssyncset.done $0x0  }
0xb9: {  	[sflag:s5] =	ssyncadd.s32 $0xFFFFF800  }
0xba: {  	_ =	swait.ge [sflag:s5], $0x800  }
0xbb: {  	[sflag:s5] =	ssyncset.done $0x0  }
0xbc: {  	[sflag:s5] =	ssyncadd.s32 $0xFFFFF800  }
0xbd: {  	_ =	swait.ge [sflag:s5], $0x800  }
0xbe: {  	[sflag:s5] =	ssyncset.done $0x0  }
0xbf: {  	[sflag:s5] =	ssyncadd.s32 $0xFFFFF800  }
0xc0: {  	_ =	swait.ge [sflag:s5], $0x800  }
0xc1: {  	p1 =	sne.s32 s1, $0x1;
	[sflag:s5] =	ssyncset.done $0x0  }
.Ltmp2:
0xc2: {  	[sflag:s5] =	ssyncadd.s32 $0xFFFFF800;
	(pc) =	sbr.rel @p1 .LBB2_2-.Ltmp2, $4  }
0xc3: {  	_ =	swait.ge [sflag:s5], $0x800  }
0xc4: {  	[sflag:s5] =	ssyncset.done $0x0  }
0xc5: {  	s1 =	sadd.s32 $0xFFFFFFFF, s1;
	s10 =	rddreg [dreg:$0x4];
	[sflag:s5] =	ssyncadd.s32 $0xFFFFF800  }
0xc6: {  	[hbm4b:s10+s2] =	stream.linear.scatter [tilespmem:s4], [sflag:$0x2], $0x8000, $0x38;
	[tilespmem:$0x8800] =	vst v63  }
.LBB2_3:
0xc7: {  	_ =	swait.ge @p0 [sflag:s3], $0x8000  }
0xc8: {  	[sflag:s3] =	ssyncset.done @p0 $0x0  }
0xc9: {  	s0 =	rddreg [dreg:$0x3];
	[sflag:s3] =	ssyncadd.s32 @p0 $0xFFFF8000  }
0xca: {  	[tilespmem:s2], [sflag:$0x2] =	stream.linear.gather [hbm4b:s0+s2], $0x800, $0x38;
	[tilespmem:$0x8800] =	vst v63  }
0xcb: {  	_ =	swait.ge [sflag:s3], $0x800  }
0xcc: {  	[sflag:s3] =	ssyncset.done $0x0;
	s10 =	rddreg [dreg:$0x5]  }
0xcd: {  	s0 =	rddreg [dreg:$0x6];
	[sflag:s3] =	ssyncadd.s32 $0xFFFFF800  }
0xce: {  	[tilespmem:s4], [sflag:$0x1] =	stream.indirect.gather [hbm4b:s6+s7], $0x10, s2, s7, $0xb8;
	[tilespmem:$0x8800] =	vst v63  }
0xcf: {  	s1 =	rddreg [dreg:$0x7]  }
0xd0: {  	[tilespmem:s10], [sflag:$0x1] =	stream.indirect.gather [hbm4b:s6+s7], $0x10, s7, s7, $0xb8;
	[tilespmem:$0x8800] =	vst v63  }
0xd1: {  	s8 =	rddreg [dreg:$0x9]  }
0xd2: {  	[tilespmem:s1], [sflag:$0x1] =	stream.indirect.gather [hbm4b:s6+s7], $0x10, s0, s7, $0xb8;
	[tilespmem:$0x8800] =	vst v63  }
0xd3: {  	s9 =	rddreg [dreg:$0x8]  }
0xd4: {  	[tilespmem:s8], [sflag:$0x1] =	stream.indirect.gather [hbm4b:s6+s7], $0x10, s9, s7, $0xb8;
	[tilespmem:$0x8800] =	vst v63  }
0xd5: {  	s10 =	simm.s32 $0x2800;
	s1 =	rddreg [dreg:$0xa]  }
0xd6: {  	[tilespmem:s10], [sflag:$0x1] =	stream.indirect.gather [hbm4b:s6+s7], $0x10, s1, s7, $0xb8;
	[tilespmem:$0x8800] =	vst v63  }
0xd7: {  	s9 =	simm.s32 $0x3000;
	s10 =	simm.s32 $0x280  }
0xd8: {  	[tilespmem:s9], [sflag:$0x1] =	stream.indirect.gather [hbm4b:s6+s7], $0x10, s10, s7, $0xb8;
	[tilespmem:$0x8800] =	vst v63  }
0xd9: {  	_ = 	snop  }
0xda: {  	[tilespmem:s12], [sflag:$0x1] =	stream.indirect.gather [hbm4b:s6+s7], $0x10, s11, s7, $0xb8;
	[tilespmem:$0x8800] =	vst v63  }
0xdb: {  	_ = 	snop  }
0xdc: {  	[tilespmem:s14], [sflag:$0x1] =	stream.indirect.gather [hbm4b:s6+s7], $0x10, s13, s7, $0xb8;
	[tilespmem:$0x8800] =	vst v63  }
0xdd: {  	_ = 	snop  }
0xde: {  	[tilespmem:s16], [sflag:$0x1] =	stream.indirect.gather [hbm4b:s6+s7], $0x10, s15, s7, $0xb8;
	[tilespmem:$0x8800] =	vst v63  }
0xdf: {  	_ = 	snop  }
0xe0: {  	[tilespmem:s18], [sflag:$0x1] =	stream.indirect.gather [hbm4b:s6+s7], $0x10, s17, s7, $0xb8;
	[tilespmem:$0x8800] =	vst v63  }
0xe1: {  	_ = 	snop  }
0xe2: {  	[tilespmem:s20], [sflag:$0x1] =	stream.indirect.gather [hbm4b:s6+s7], $0x10, s19, s7, $0xb8;
	[tilespmem:$0x8800] =	vst v63  }
0xe3: {  	_ = 	snop  }
0xe4: {  	[tilespmem:s22], [sflag:$0x1] =	stream.indirect.gather [hbm4b:s6+s7], $0x10, s21, s7, $0xb8;
	[tilespmem:$0x8800] =	vst v63  }
0xe5: {  	_ = 	snop  }
0xe6: {  	[tilespmem:s24], [sflag:$0x1] =	stream.indirect.gather [hbm4b:s6+s7], $0x10, s23, s7, $0xb8;
	[tilespmem:$0x8800] =	vst v63  }
0xe7: {  	_ = 	snop  }
0xe8: {  	[tilespmem:s26], [sflag:$0x1] =	stream.indirect.gather [hbm4b:s6+s7], $0x10, s25, s7, $0xb8;
	[tilespmem:$0x8800] =	vst v63  }
0xe9: {  	_ = 	snop  }
0xea: {  	[tilespmem:s29], [sflag:$0x1] =	stream.indirect.gather [hbm4b:s6+s7], $0x10, s28, s7, $0xb8;
	[tilespmem:$0x8800] =	vst v63  }
0xeb: {  	_ = 	snop  }
0xec: {  	[tilespmem:s31], [sflag:$0x1] =	stream.indirect.gather [hbm4b:s6+s7], $0x10, s30, s7, $0xb8;
	[tilespmem:$0x8800] =	vst v63  }
0xed: {  	_ =	swait.ge [sflag:s5], $0x800  }
0xee: {  	[sflag:s5] =	ssyncset.done $0x0  }
0xef: {  	[sflag:s5] =	ssyncadd.s32 $0xFFFFF800  }
0xf0: {  	_ =	swait.ge [sflag:s5], $0x800  }
0xf1: {  	[sflag:s5] =	ssyncset.done $0x0  }
0xf2: {  	[sflag:s5] =	ssyncadd.s32 $0xFFFFF800  }
0xf3: {  	_ =	swait.ge [sflag:s5], $0x800  }
0xf4: {  	[sflag:s5] =	ssyncset.done $0x0  }
0xf5: {  	[sflag:s5] =	ssyncadd.s32 $0xFFFFF800  }
0xf6: {  	_ =	swait.ge [sflag:s5], $0x800  }
0xf7: {  	[sflag:s5] =	ssyncset.done $0x0  }
0xf8: {  	[sflag:s5] =	ssyncadd.s32 $0xFFFFF800  }
0xf9: {  	_ =	swait.ge [sflag:s5], $0x800  }
0xfa: {  	[sflag:s5] =	ssyncset.done $0x0  }
0xfb: {  	[sflag:s5] =	ssyncadd.s32 $0xFFFFF800  }
0xfc: {  	_ =	swait.ge [sflag:s5], $0x800  }
0xfd: {  	[sflag:s5] =	ssyncset.done $0x0  }
0xfe: {  	[sflag:s5] =	ssyncadd.s32 $0xFFFFF800  }
0xff: {  	_ =	swait.ge [sflag:s5], $0x800  }
0x100: {  	[sflag:s5] =	ssyncset.done $0x0  }
0x101: {  	[sflag:s5] =	ssyncadd.s32 $0xFFFFF800  }
0x102: {  	_ =	swait.ge [sflag:s5], $0x800  }
0x103: {  	[sflag:s5] =	ssyncset.done $0x0  }
0x104: {  	[sflag:s5] =	ssyncadd.s32 $0xFFFFF800  }
0x105: {  	_ =	swait.ge [sflag:s5], $0x800  }
0x106: {  	[sflag:s5] =	ssyncset.done $0x0  }
0x107: {  	[sflag:s5] =	ssyncadd.s32 $0xFFFFF800  }
0x108: {  	_ =	swait.ge [sflag:s5], $0x800  }
0x109: {  	[sflag:s5] =	ssyncset.done $0x0  }
0x10a: {  	[sflag:s5] =	ssyncadd.s32 $0xFFFFF800  }
0x10b: {  	_ =	swait.ge [sflag:s5], $0x800  }
0x10c: {  	[sflag:s5] =	ssyncset.done $0x0  }
0x10d: {  	[sflag:s5] =	ssyncadd.s32 $0xFFFFF800  }
0x10e: {  	_ =	swait.ge [sflag:s5], $0x800  }
0x10f: {  	[sflag:s5] =	ssyncset.done $0x0  }
0x110: {  	[sflag:s5] =	ssyncadd.s32 $0xFFFFF800  }
0x111: {  	_ =	swait.ge [sflag:s5], $0x800  }
0x112: {  	[sflag:s5] =	ssyncset.done $0x0  }
0x113: {  	[sflag:s5] =	ssyncadd.s32 $0xFFFFF800  }
0x114: {  	_ =	swait.ge [sflag:s5], $0x800  }
0x115: {  	[sflag:s5] =	ssyncset.done $0x0  }
0x116: {  	[sflag:s5] =	ssyncadd.s32 $0xFFFFF800  }
0x117: {  	_ =	swait.ge [sflag:s5], $0x800  }
0x118: {  	[sflag:s5] =	ssyncset.done $0x0  }
0x119: {  	[sflag:s5] =	ssyncadd.s32 $0xFFFFF800  }
0x11a: {  	_ =	swait.ge [sflag:s5], $0x800  }
0x11b: {  	[sflag:s5] =	ssyncset.done $0x0  }
0x11c: {  	s30 =	rddreg [dreg:$0x4];
	[sflag:s5] =	ssyncadd.s32 $0xFFFFF800  }
0x11d: {  	[hbm4b:s30+s2] =	stream.linear.scatter [tilespmem:s4], [sflag:$0x2], $0x8000, $0x38;
	[tilespmem:$0x8800] =	vst v63  }
0x11e: {  	_ =	swait.ge [sflag:s3], $0x8000  }
0x11f: {  	[sflag:s3] =	ssyncset.done $0x0  }
0x120: {  	[sflag:s3] =	ssyncadd.s32 $0xFFFF8000  }
0x121: {  	_ =	sfence.sel $0x180000  }
0x122: {  	[bflag:$0x0] =	sbarrier.arrive $0xFFFF  }
0x123: {  	_ =	strace $0x90000047  }
0x124: {  	s31 =	stileid.u32;
	[bflag:$0x2] =	sbarrier.arrive $0xFFFF  }
0x125: {  	p0 =	sne.s32 s31, $0x0;
	s0 =	rddreg [dreg:$0x2]  }
0x126: {  	s0 =	sadd.s32 @!p0 $0x100000, s0  }
0x127: {  	[sflag:s0] =	ssyncadd.tile.s32 @!p0 $0x1;
	_ =	shalt  }
.Lfunc_end2:
_tile_overlayer_lowered:
.L_overlay_start_2:
0x128: {  	(tag) =	ssettag $0x2  }
0x129: {  	s0 =	rddreg [dreg:$0x0];
	s2 =	stileid.u32  }
0x12a: {  	s1 =	rddreg [dreg:$0x1];
	p0 =	sne.s32 s2, $0x0  }
0x12b: {  	s3 =	rddreg [dreg:$0x2];
	[bflag:$0x3] =	sbarrier.arrive $0xFFFF;
	s2 =	simm.s32 @!p0 $0x1C02  }
0x12c: {  	[timem:s3], [sflag:s2] =	dma.local @!p0 [hbm:s0], s1  }
0x12d: {  	s0 =	simm.s32 @!p0 $0x2  }
0x12e: {  	_ =	swait.ge @!p0 [sflag:s0], s1  }
0x12f: {  	s1 =	ssub.s32 @!p0 $0x0, s1;
	[sflag:s0] =	ssyncset.done @!p0 $0x0  }
0x130: {  	[sflag:s0] =	ssyncadd.s32 @!p0 s1  }
0x131: {  	[bflag:$0x3] =	sbarrier.arrive $0xFFFF  }
0x132: {  	_ =	shalt  }

</sc_bundles>
